<compile_context>
chip_gen: v7x
topology: tpu7x:2x2x1
jax: 0.10.2.dev20260603
libtpu: 0.0.44.dev20260713+nightly
codegen_flags: <defaults>
</compile_context>

<pallas_src>
import functools

import jax
import jax.numpy as jnp
from jax import lax
from jax.experimental import pallas as pl
from jax.experimental.pallas import tpu as pltpu
from jax.experimental.pallas import tpu_sc as plsc

_NC = 2
_NS = 16
_NW = _NC * _NS
_BOP = 128
_NBUF = 8
_HTILES = 5


def _matmul_body(x_ref, w_ref, o_ref):
    o_ref[...] = jnp.dot(x_ref[...], w_ref[...],
                         preferred_element_type=jnp.float32)


def _finish_body(y_ref, p0_ref, p1_ref, b1_ref, w2_ref, b2_ref,
                 wa_ref, ba_ref, wp_ref, bp_ref,
                 al_ref, plg_ref, ge_ref, h_ref):
    h0 = jnp.maximum(y_ref[...] + p0_ref[...] + p1_ref[...] + b1_ref[...],
                     0.0)
    h = jnp.dot(h0, w2_ref[...], preferred_element_type=jnp.float32)
    h = jnp.maximum(h + b2_ref[...], 0.0)
    h_ref[...] = h
    ge = jnp.sum(h, axis=0, keepdims=True)
    ge_ref[...] = ge
    al_ref[...] = jnp.dot(ge, wa_ref[...],
                          preferred_element_type=jnp.float32) + ba_ref[...]
    plg_ref[...] = jnp.dot(ge, wp_ref[...],
                           preferred_element_type=jnp.float32) + bp_ref[...]


def _make_sc_scatter(n, n_acc, h, chunks, rows_per_tile, y_rows_per_tile):
    mesh = plsc.VectorSubcoreMesh(core_axis_name="c", subcore_axis_name="s",
                                  num_cores=_NC, num_subcores=_NS)

    @functools.partial(
        pl.kernel,
        out_type=jax.ShapeDtypeStruct((_NC, n_acc, h), jnp.float32),
        mesh=mesh,
        scratch_types=[
            pltpu.VMEM((chunks, _BOP), jnp.int32),
            pltpu.VMEM((chunks, _BOP), jnp.int32),
            pltpu.VMEM((_NBUF, _BOP, h), jnp.float32),
            pltpu.VMEM_SHARED((n, h), jnp.float32),
            pltpu.VMEM_SHARED((n_acc, h), jnp.float32),
            [pltpu.SemaphoreType.DMA] * _NBUF,
            [pltpu.SemaphoreType.DMA] * _NBUF,
        ],
        compiler_params=pltpu.CompilerParams(use_tc_tiling_on_sc=False),
    )
    def sc_scatter(y_hbm, srcs_hbm, dsts_hbm, zeros_hbm, out_hbm,
                   src_v, dst_v, rows_v, y_sh, acc_sh, gsems, ssems):
        cid = lax.axis_index("c")
        sid = lax.axis_index("s")
        wid = cid * _NS + sid

        base = sid * rows_per_tile
        pltpu.sync_copy(zeros_hbm.at[pl.ds(base, rows_per_tile)],
                        acc_sh.at[pl.ds(base, rows_per_tile)])
        ybase = sid * y_rows_per_tile
        pltpu.sync_copy(y_hbm.at[pl.ds(ybase, y_rows_per_tile)],
                        y_sh.at[pl.ds(ybase, y_rows_per_tile)])

        pltpu.sync_copy(srcs_hbm.at[wid], src_v)
        pltpu.sync_copy(dsts_hbm.at[wid], dst_v)
        plsc.subcore_barrier()

        def run_ring(ysrc):
            def gather(j, b):
                return pltpu.make_async_copy(
                    ysrc.at[src_v.at[j]], rows_v.at[b], gsems[b])

            for b in range(_NBUF):
                gather(b, b).start()

            def outer(i, carry):
                j0 = i * _NBUF
                scatters = []
                for b in range(_NBUF):
                    gather(j0 + b, b).wait()
                    scatters.append(pltpu.async_copy(
                        rows_v.at[b], acc_sh.at[dst_v.at[j0 + b]], ssems[b],
                        add=True))
                for b in range(_NBUF):
                    scatters[b].wait()

                    @pl.when(j0 + b + _NBUF < chunks)
                    def _():
                        gather(j0 + b + _NBUF, b).start()
                return carry

            lax.fori_loop(0, chunks // _NBUF, outer, 0)

        @pl.when(sid < _HTILES)
        def _():
            run_ring(y_hbm)

        @pl.when(sid >= _HTILES)
        def _():
            run_ring(y_sh)

        plsc.subcore_barrier()

        pltpu.sync_copy(acc_sh.at[pl.ds(base, rows_per_tile)],
                        out_hbm.at[cid, pl.ds(base, rows_per_tile)])

    return sc_scatter


def kernel(x, edge_index, W1, b1, W2, b2, Wa, ba, Wp, bp):
    n, d = x.shape
    h = W1.shape[1]
    e = edge_index.shape[1]

    per_w = -(-e // _NW)
    chunks = -(-per_w // _BOP)
    chunks = -(-chunks // _NBUF) * _NBUF
    e_pad = _NW * chunks * _BOP
    pad = e_pad - e
    src = jnp.concatenate(
        [edge_index[0], jnp.zeros((pad,), jnp.int32)]).reshape(
            _NW, chunks, _BOP)
    dst = jnp.concatenate(
        [edge_index[1], jnp.full((pad,), n, jnp.int32)]).reshape(
            _NW, chunks, _BOP)

    align = 8 * _NS
    n_acc = ((n + 1 + align - 1) // align) * align
    rows_per_tile = n_acc // _NS
    zeros_init = jnp.zeros((n_acc, h), jnp.float32)

    y = pl.pallas_call(
        _matmul_body,
        out_shape=jax.ShapeDtypeStruct((n, h), jnp.float32),
    )(x, W1)

    y_rows_per_tile = n // _NS
    sc_fn = _make_sc_scatter(n, n_acc, h, chunks, rows_per_tile,
                             y_rows_per_tile)
    parts = sc_fn(y, src, dst, zeros_init)

    action_logits, primitive_logits, graph_embed, h_out = pl.pallas_call(
        _finish_body,
        out_shape=(
            jax.ShapeDtypeStruct((1, Wa.shape[1]), jnp.float32),
            jax.ShapeDtypeStruct((1, Wp.shape[1]), jnp.float32),
            jax.ShapeDtypeStruct((1, h), jnp.float32),
            jax.ShapeDtypeStruct((n, h), jnp.float32),
        ),
    )(y, parts[0, :n], parts[1, :n], b1.reshape(1, h), W2,
      b2.reshape(1, h), Wa, ba.reshape(1, -1), Wp, bp.reshape(1, -1))

    return (action_logits, primitive_logits, graph_embed, h_out)

# --- scband reference (transcript-rebuilt; emitter-appended) ---
"""Pipeline reference for scband-haemodel-79474074845435 (READ-ONLY COPY).

The authoritative reference and input builder live on the scoring server;
editing this copy changes nothing except your own understanding.
"""

import jax, jax.numpy as jnp
import numpy as np

N = 10000
E = 320000
D = 128
H = 32
NUM_TOOLS = 13
NUM_PRIMITIVES = 8


def setup_inputs(seed: int = 0) -> dict:
    key = jax.random.key(seed)
    ks = jax.random.split(key, 12)
    x = jax.random.normal(ks[0], (N, D), dtype=jnp.float32)
    edge_index = jax.random.randint(ks[1], (2, E), 0, N, dtype=jnp.int32)
    s = 0.05
    W1 = s * jax.random.normal(ks[2], (D, H), dtype=jnp.float32)
    b1 = jnp.zeros((H,), dtype=jnp.float32)
    W2 = s * jax.random.normal(ks[3], (H, H), dtype=jnp.float32)
    b2 = jnp.zeros((H,), dtype=jnp.float32)
    Wa = s * jax.random.normal(ks[4], (H, NUM_TOOLS), dtype=jnp.float32)
    ba = jnp.zeros((NUM_TOOLS,), dtype=jnp.float32)
    Wp = s * jax.random.normal(ks[5], (H, NUM_PRIMITIVES), dtype=jnp.float32)
    bp = jnp.zeros((NUM_PRIMITIVES,), dtype=jnp.float32)
    return {"x": x, "edge_index": edge_index, "W1": W1, "b1": b1, "W2": W2, "b2": b2,
            "Wa": Wa, "ba": ba, "Wp": Wp, "bp": bp}


def reference(x, edge_index, W1, b1, W2, b2, Wa, ba, Wp, bp):
    # _FallbackSUMLayer: agg[v] = sum_{(u->v)} x[u]; h = MLP(x + agg)
    src = edge_index[0]
    dst = edge_index[1]
    agg = jnp.zeros_like(x).at[dst].add(x[src])
    h0 = (x + agg) @ W1 + b1
    h0 = jax.nn.relu(h0)
    h = h0 @ W2 + b2
    # HAEModel.forward: h = F.relu(conv(...))
    h = jax.nn.relu(h)
    # batch=None, fallback path: graph_embed = h.sum(dim=0, keepdim=True)
    graph_embed = jnp.sum(h, axis=0, keepdims=True)
    action_logits = graph_embed @ Wa + ba
    primitive_logits = graph_embed @ Wp + bp
    return (action_logits, primitive_logits, graph_embed, h)

if __name__ == "__main__":
    import jax
    _d = setup_inputs()
    print(jax.jit(kernel)(*tuple(_d.values())))

</pallas_src>

<mosaic_0001>
#map = affine_map<(d0, d1) -> (0, 0)>
#map1 = affine_map<(d0, d1) -> (0, 0, 0)>
module attributes {stable_mosaic.version = 14 : i64} {
  func.func @sc_scatter(%arg0: i32, %arg1: i32, %arg2: memref<10000x32xf32, #tpu.memory_space<hbm>>, %arg3: memref<32x80x128xi32, #tpu.memory_space<hbm>>, %arg4: memref<32x80x128xi32, #tpu.memory_space<hbm>>, %arg5: memref<10112x32xf32, #tpu.memory_space<hbm>>, %arg6: memref<2x10112x32xf32, #tpu.memory_space<hbm>>, %arg7: memref<80x128xi32, #tpu.memory_space<vmem>>, %arg8: memref<80x128xi32, #tpu.memory_space<vmem>>, %arg9: memref<8x128x32xf32, #tpu.memory_space<vmem>>, %arg10: memref<10000x32xf32, #tpu.memory_space<vmem_shared>>, %arg11: memref<10112x32xf32, #tpu.memory_space<vmem_shared>>, %arg12: memref<!tpu.dma_semaphore, #tpu.memory_space<semaphore_mem>>, %arg13: memref<!tpu.dma_semaphore, #tpu.memory_space<semaphore_mem>>, %arg14: memref<!tpu.dma_semaphore, #tpu.memory_space<semaphore_mem>>, %arg15: memref<!tpu.dma_semaphore, #tpu.memory_space<semaphore_mem>>, %arg16: memref<!tpu.dma_semaphore, #tpu.memory_space<semaphore_mem>>, %arg17: memref<!tpu.dma_semaphore, #tpu.memory_space<semaphore_mem>>, %arg18: memref<!tpu.dma_semaphore, #tpu.memory_space<semaphore_mem>>, %arg19: memref<!tpu.dma_semaphore, #tpu.memory_space<semaphore_mem>>, %arg20: memref<!tpu.dma_semaphore, #tpu.memory_space<semaphore_mem>>, %arg21: memref<!tpu.dma_semaphore, #tpu.memory_space<semaphore_mem>>, %arg22: memref<!tpu.dma_semaphore, #tpu.memory_space<semaphore_mem>>, %arg23: memref<!tpu.dma_semaphore, #tpu.memory_space<semaphore_mem>>, %arg24: memref<!tpu.dma_semaphore, #tpu.memory_space<semaphore_mem>>, %arg25: memref<!tpu.dma_semaphore, #tpu.memory_space<semaphore_mem>>, %arg26: memref<!tpu.dma_semaphore, #tpu.memory_space<semaphore_mem>>, %arg27: memref<!tpu.dma_semaphore, #tpu.memory_space<semaphore_mem>>) attributes {dimension_semantics = [#tpu.dimension_semantics<core_parallel>, #tpu.dimension_semantics<subcore_parallel>], iteration_bounds = array<i64: 2, 16>, scalar_prefetch = 0 : i64, scratch_operands = 21 : i64, tpu.core_type = #tpu.core_type<sc_vector_subcore>, window_params = [{transform_indices = #map}, {transform_indices = #map1}, {transform_indices = #map1}, {transform_indices = #map}, {transform_indices = #map1}]} {
    %mul3A = arith.constant 16 : i32
    %mul3A_0 = arith.muli %arg0, %mul3A : i32
    %add3A = arith.addi %mul3A_0, %arg1 : i32
    %mul3A_1 = arith.constant 632 : i32
    %mul3A_2 = arith.muli %arg1, %mul3A_1 : i32
    "tpu.region"() ({
      %run_scoped3A = tpu.sem_alloc : memref<!tpu.dma_semaphore, #tpu.memory_space<semaphore_mem>>
      %dma_start3A = arith.constant 0 : i32
      %dma_start3A_12 = tpu.memref_slice %arg11[%mul3A_2, %dma_start3A] : memref<10112x32xf32, #tpu.memory_space<vmem_shared>> -> memref<632x32xf32, #tpu.memory_space<vmem_shared>>
      %dma_start3A_13 = arith.constant 0 : i32
      %dma_start3A_14 = tpu.memref_slice %arg5[%mul3A_2, %dma_start3A_13] : memref<10112x32xf32, #tpu.memory_space<hbm>> -> memref<632x32xf32, #tpu.memory_space<hbm>>
      tpu.enqueue_dma source(%dma_start3A_14 : memref<632x32xf32, #tpu.memory_space<hbm>>) target(%dma_start3A_12 : memref<632x32xf32, #tpu.memory_space<vmem_shared>>) target_semaphore(%run_scoped3A : memref<!tpu.dma_semaphore, #tpu.memory_space<semaphore_mem>>)
      %dma_wait3A = arith.constant 0 : i32
      %dma_wait3A_15 = tpu.memref_slice %arg11[%mul3A_2, %dma_wait3A] : memref<10112x32xf32, #tpu.memory_space<vmem_shared>> -> memref<632x32xf32, #tpu.memory_space<vmem_shared>>
      %dma_wait3A_16 = arith.constant 0 : i32
      %dma_wait3A_17 = tpu.memref_slice %arg5[%mul3A_2, %dma_wait3A_16] : memref<10112x32xf32, #tpu.memory_space<hbm>> -> memref<632x32xf32, #tpu.memory_space<hbm>>
      tpu.wait_dma2 semaphore(%run_scoped3A : memref<!tpu.dma_semaphore, #tpu.memory_space<semaphore_mem>>) src(%dma_wait3A_17 : memref<632x32xf32, #tpu.memory_space<hbm>>) dst(%dma_wait3A_15 : memref<632x32xf32, #tpu.memory_space<vmem_shared>>)
      tpu.yield
    }) : () -> ()
    %mul3A_3 = arith.constant 625 : i32
    %mul3A_4 = arith.muli %arg1, %mul3A_3 : i32
    "tpu.region"() ({
      %run_scoped3A = tpu.sem_alloc : memref<!tpu.dma_semaphore, #tpu.memory_space<semaphore_mem>>
      %dma_start3A = arith.constant 0 : i32
      %dma_start3A_12 = tpu.memref_slice %arg10[%mul3A_4, %dma_start3A] : memref<10000x32xf32, #tpu.memory_space<vmem_shared>> -> memref<625x32xf32, #tpu.memory_space<vmem_shared>>
      %dma_start3A_13 = arith.constant 0 : i32
      %dma_start3A_14 = tpu.memref_slice %arg2[%mul3A_4, %dma_start3A_13] : memref<10000x32xf32, #tpu.memory_space<hbm>> -> memref<625x32xf32, #tpu.memory_space<hbm>>
      tpu.enqueue_dma source(%dma_start3A_14 : memref<625x32xf32, #tpu.memory_space<hbm>>) target(%dma_start3A_12 : memref<625x32xf32, #tpu.memory_space<vmem_shared>>) target_semaphore(%run_scoped3A : memref<!tpu.dma_semaphore, #tpu.memory_space<semaphore_mem>>)
      %dma_wait3A = arith.constant 0 : i32
      %dma_wait3A_15 = tpu.memref_slice %arg10[%mul3A_4, %dma_wait3A] : memref<10000x32xf32, #tpu.memory_space<vmem_shared>> -> memref<625x32xf32, #tpu.memory_space<vmem_shared>>
      %dma_wait3A_16 = arith.constant 0 : i32
      %dma_wait3A_17 = tpu.memref_slice %arg2[%mul3A_4, %dma_wait3A_16] : memref<10000x32xf32, #tpu.memory_space<hbm>> -> memref<625x32xf32, #tpu.memory_space<hbm>>
      tpu.wait_dma2 semaphore(%run_scoped3A : memref<!tpu.dma_semaphore, #tpu.memory_space<semaphore_mem>>) src(%dma_wait3A_17 : memref<625x32xf32, #tpu.memory_space<hbm>>) dst(%dma_wait3A_15 : memref<625x32xf32, #tpu.memory_space<vmem_shared>>)
      tpu.yield
    }) : () -> ()
    "tpu.region"() ({
      %run_scoped3A = tpu.sem_alloc : memref<!tpu.dma_semaphore, #tpu.memory_space<semaphore_mem>>
      %dma_start3A = arith.constant 0 : i32
      %dma_start3A_12 = arith.constant 0 : i32
      %dma_start3A_13 = tpu.memref_slice %arg3[%add3A, %dma_start3A, %dma_start3A_12] : memref<32x80x128xi32, #tpu.memory_space<hbm>> -> memref<1x80x128xi32, #tpu.memory_space<hbm>>
      %dma_start3A_14 = tpu.memref_squeeze %dma_start3A_13 : memref<1x80x128xi32, #tpu.memory_space<hbm>> -> memref<80x128xi32, #tpu.memory_space<hbm>>
      %dma_start3A_15 = arith.constant 0 : i32
      %dma_start3A_16 = arith.constant 0 : i32
      %dma_start3A_17 = tpu.memref_slice %arg3[%add3A, %dma_start3A_15, %dma_start3A_16] : memref<32x80x128xi32, #tpu.memory_space<hbm>> -> memref<1x80x128xi32, #tpu.memory_space<hbm>>
      %dma_start3A_18 = tpu.memref_squeeze %dma_start3A_17 : memref<1x80x128xi32, #tpu.memory_space<hbm>> -> memref<80x128xi32, #tpu.memory_space<hbm>>
      tpu.enqueue_dma source(%dma_start3A_18 : memref<80x128xi32, #tpu.memory_space<hbm>>) target(%arg7 : memref<80x128xi32, #tpu.memory_space<vmem>>) target_semaphore(%run_scoped3A : memref<!tpu.dma_semaphore, #tpu.memory_space<semaphore_mem>>)
      %dma_wait3A = arith.constant 0 : i32
      %dma_wait3A_19 = arith.constant 0 : i32
      %dma_wait3A_20 = tpu.memref_slice %arg3[%add3A, %dma_wait3A, %dma_wait3A_19] : memref<32x80x128xi32, #tpu.memory_space<hbm>> -> memref<1x80x128xi32, #tpu.memory_space<hbm>>
      %dma_wait3A_21 = tpu.memref_squeeze %dma_wait3A_20 : memref<1x80x128xi32, #tpu.memory_space<hbm>> -> memref<80x128xi32, #tpu.memory_space<hbm>>
      %dma_wait3A_22 = arith.constant 0 : i32
      %dma_wait3A_23 = arith.constant 0 : i32
      %dma_wait3A_24 = tpu.memref_slice %arg3[%add3A, %dma_wait3A_22, %dma_wait3A_23] : memref<32x80x128xi32, #tpu.memory_space<hbm>> -> memref<1x80x128xi32, #tpu.memory_space<hbm>>
      %dma_wait3A_25 = tpu.memref_squeeze %dma_wait3A_24 : memref<1x80x128xi32, #tpu.memory_space<hbm>> -> memref<80x128xi32, #tpu.memory_space<hbm>>
      tpu.wait_dma2 semaphore(%run_scoped3A : memref<!tpu.dma_semaphore, #tpu.memory_space<semaphore_mem>>) src(%dma_wait3A_25 : memref<80x128xi32, #tpu.memory_space<hbm>>) dst(%arg7 : memref<80x128xi32, #tpu.memory_space<vmem>>)
      tpu.yield
    }) : () -> ()
    "tpu.region"() ({
      %run_scoped3A = tpu.sem_alloc : memref<!tpu.dma_semaphore, #tpu.memory_space<semaphore_mem>>
      %dma_start3A = arith.constant 0 : i32
      %dma_start3A_12 = arith.constant 0 : i32
      %dma_start3A_13 = tpu.memref_slice %arg4[%add3A, %dma_start3A, %dma_start3A_12] : memref<32x80x128xi32, #tpu.memory_space<hbm>> -> memref<1x80x128xi32, #tpu.memory_space<hbm>>
      %dma_start3A_14 = tpu.memref_squeeze %dma_start3A_13 : memref<1x80x128xi32, #tpu.memory_space<hbm>> -> memref<80x128xi32, #tpu.memory_space<hbm>>
      %dma_start3A_15 = arith.constant 0 : i32
      %dma_start3A_16 = arith.constant 0 : i32
      %dma_start3A_17 = tpu.memref_slice %arg4[%add3A, %dma_start3A_15, %dma_start3A_16] : memref<32x80x128xi32, #tpu.memory_space<hbm>> -> memref<1x80x128xi32, #tpu.memory_space<hbm>>
      %dma_start3A_18 = tpu.memref_squeeze %dma_start3A_17 : memref<1x80x128xi32, #tpu.memory_space<hbm>> -> memref<80x128xi32, #tpu.memory_space<hbm>>
      tpu.enqueue_dma source(%dma_start3A_18 : memref<80x128xi32, #tpu.memory_space<hbm>>) target(%arg8 : memref<80x128xi32, #tpu.memory_space<vmem>>) target_semaphore(%run_scoped3A : memref<!tpu.dma_semaphore, #tpu.memory_space<semaphore_mem>>)
      %dma_wait3A = arith.constant 0 : i32
      %dma_wait3A_19 = arith.constant 0 : i32
      %dma_wait3A_20 = tpu.memref_slice %arg4[%add3A, %dma_wait3A, %dma_wait3A_19] : memref<32x80x128xi32, #tpu.memory_space<hbm>> -> memref<1x80x128xi32, #tpu.memory_space<hbm>>
      %dma_wait3A_21 = tpu.memref_squeeze %dma_wait3A_20 : memref<1x80x128xi32, #tpu.memory_space<hbm>> -> memref<80x128xi32, #tpu.memory_space<hbm>>
      %dma_wait3A_22 = arith.constant 0 : i32
      %dma_wait3A_23 = arith.constant 0 : i32
      %dma_wait3A_24 = tpu.memref_slice %arg4[%add3A, %dma_wait3A_22, %dma_wait3A_23] : memref<32x80x128xi32, #tpu.memory_space<hbm>> -> memref<1x80x128xi32, #tpu.memory_space<hbm>>
      %dma_wait3A_25 = tpu.memref_squeeze %dma_wait3A_24 : memref<1x80x128xi32, #tpu.memory_space<hbm>> -> memref<80x128xi32, #tpu.memory_space<hbm>>
      tpu.wait_dma2 semaphore(%run_scoped3A : memref<!tpu.dma_semaphore, #tpu.memory_space<semaphore_mem>>) src(%dma_wait3A_25 : memref<80x128xi32, #tpu.memory_space<hbm>>) dst(%arg8 : memref<80x128xi32, #tpu.memory_space<vmem>>)
      tpu.yield
    }) : () -> ()
    %barrier3A = arith.constant 0 : index
    tpu.barrier barrier_id(%barrier3A)
    %lt3A = arith.constant 5 : i32
    %lt3A_5 = arith.cmpi slt, %arg1, %lt3A : i32
    %convert_element_type3A = arith.extui %lt3A_5 : i1 to i32
    %cond3A = arith.constant 0 : i32
    %cond3A_6 = arith.cmpi ne, %convert_element_type3A, %cond3A : i32
    scf.if %cond3A_6 {
      %dma_start3A = arith.constant 0 : i32
      %dma_start3A_12 = arith.constant 0 : i32
      %dma_start3A_13 = arith.constant 0 : i32
      %dma_start3A_14 = arith.constant 0 : i32
      %dma_start3A_15 = tpu.memref_slice %arg9[%dma_start3A_12, %dma_start3A_13, %dma_start3A_14] : memref<8x128x32xf32, #tpu.memory_space<vmem>> -> memref<1x128x32xf32, #tpu.memory_space<vmem>>
      %dma_start3A_16 = tpu.memref_squeeze %dma_start3A_15 : memref<1x128x32xf32, #tpu.memory_space<vmem>> -> memref<128x32xf32, #tpu.memory_space<vmem>>
      %dma_start3A_17 = arith.constant 0 : i32
      %dma_start3A_18 = tpu.memref_slice %arg7[%dma_start3A, %dma_start3A_17] : memref<80x128xi32, #tpu.memory_space<vmem>> -> memref<1x128xi32, #tpu.memory_space<vmem>>
      %dma_start3A_19 = tpu.memref_squeeze %dma_start3A_18 : memref<1x128xi32, #tpu.memory_space<vmem>> -> memref<128xi32, #tpu.memory_space<vmem>>
      %dma_start3A_20 = arith.constant 0 : i32
      %dma_start3A_21 = arith.constant 0 : i32
      %dma_start3A_22 = tpu.memref_slice %arg2[%dma_start3A_20, %dma_start3A_21] : memref<10000x32xf32, #tpu.memory_space<hbm>> -> memref<10000x32xf32, #tpu.memory_space<hbm>>
      tpu.enqueue_indirect_dma source(%dma_start3A_22 : memref<10000x32xf32, #tpu.memory_space<hbm>>) target(%dma_start3A_16 : memref<128x32xf32, #tpu.memory_space<vmem>>) offsets(%dma_start3A_19 : memref<128xi32, #tpu.memory_space<vmem>>) semaphore(%arg12 : memref<!tpu.dma_semaphore, #tpu.memory_space<semaphore_mem>>)
      %dma_start3A_23 = arith.constant 1 : i32
      %dma_start3A_24 = arith.constant 1 : i32
      %dma_start3A_25 = arith.constant 0 : i32
      %dma_start3A_26 = arith.constant 0 : i32
      %dma_start3A_27 = tpu.memref_slice %arg9[%dma_start3A_24, %dma_start3A_25, %dma_start3A_26] : memref<8x128x32xf32, #tpu.memory_space<vmem>> -> memref<1x128x32xf32, #tpu.memory_space<vmem>>
      %dma_start3A_28 = tpu.memref_squeeze %dma_start3A_27 : memref<1x128x32xf32, #tpu.memory_space<vmem>> -> memref<128x32xf32, #tpu.memory_space<vmem>>
      %dma_start3A_29 = arith.constant 0 : i32
      %dma_start3A_30 = tpu.memref_slice %arg7[%dma_start3A_23, %dma_start3A_29] : memref<80x128xi32, #tpu.memory_space<vmem>> -> memref<1x128xi32, #tpu.memory_space<vmem>>
      %dma_start3A_31 = tpu.memref_squeeze %dma_start3A_30 : memref<1x128xi32, #tpu.memory_space<vmem>> -> memref<128xi32, #tpu.memory_space<vmem>>
      %dma_start3A_32 = arith.constant 0 : i32
      %dma_start3A_33 = arith.constant 0 : i32
      %dma_start3A_34 = tpu.memref_slice %arg2[%dma_start3A_32, %dma_start3A_33] : memref<10000x32xf32, #tpu.memory_space<hbm>> -> memref<10000x32xf32, #tpu.memory_space<hbm>>
      tpu.enqueue_indirect_dma source(%dma_start3A_34 : memref<10000x32xf32, #tpu.memory_space<hbm>>) target(%dma_start3A_28 : memref<128x32xf32, #tpu.memory_space<vmem>>) offsets(%dma_start3A_31 : memref<128xi32, #tpu.memory_space<vmem>>) semaphore(%arg13 : memref<!tpu.dma_semaphore, #tpu.memory_space<semaphore_mem>>)
      %dma_start3A_35 = arith.constant 2 : i32
      %dma_start3A_36 = arith.constant 2 : i32
      %dma_start3A_37 = arith.constant 0 : i32
      %dma_start3A_38 = arith.constant 0 : i32
      %dma_start3A_39 = tpu.memref_slice %arg9[%dma_start3A_36, %dma_start3A_37, %dma_start3A_38] : memref<8x128x32xf32, #tpu.memory_space<vmem>> -> memref<1x128x32xf32, #tpu.memory_space<vmem>>
      %dma_start3A_40 = tpu.memref_squeeze %dma_start3A_39 : memref<1x128x32xf32, #tpu.memory_space<vmem>> -> memref<128x32xf32, #tpu.memory_space<vmem>>
      %dma_start3A_41 = arith.constant 0 : i32
      %dma_start3A_42 = tpu.memref_slice %arg7[%dma_start3A_35, %dma_start3A_41] : memref<80x128xi32, #tpu.memory_space<vmem>> -> memref<1x128xi32, #tpu.memory_space<vmem>>
      %dma_start3A_43 = tpu.memref_squeeze %dma_start3A_42 : memref<1x128xi32, #tpu.memory_space<vmem>> -> memref<128xi32, #tpu.memory_space<vmem>>
      %dma_start3A_44 = arith.constant 0 : i32
      %dma_start3A_45 = arith.constant 0 : i32
      %dma_start3A_46 = tpu.memref_slice %arg2[%dma_start3A_44, %dma_start3A_45] : memref<10000x32xf32, #tpu.memory_space<hbm>> -> memref<10000x32xf32, #tpu.memory_space<hbm>>
      tpu.enqueue_indirect_dma source(%dma_start3A_46 : memref<10000x32xf32, #tpu.memory_space<hbm>>) target(%dma_start3A_40 : memref<128x32xf32, #tpu.memory_space<vmem>>) offsets(%dma_start3A_43 : memref<128xi32, #tpu.memory_space<vmem>>) semaphore(%arg14 : memref<!tpu.dma_semaphore, #tpu.memory_space<semaphore_mem>>)
      %dma_start3A_47 = arith.constant 3 : i32
      %dma_start3A_48 = arith.constant 3 : i32
      %dma_start3A_49 = arith.constant 0 : i32
      %dma_start3A_50 = arith.constant 0 : i32
      %dma_start3A_51 = tpu.memref_slice %arg9[%dma_start3A_48, %dma_start3A_49, %dma_start3A_50] : memref<8x128x32xf32, #tpu.memory_space<vmem>> -> memref<1x128x32xf32, #tpu.memory_space<vmem>>
      %dma_start3A_52 = tpu.memref_squeeze %dma_start3A_51 : memref<1x128x32xf32, #tpu.memory_space<vmem>> -> memref<128x32xf32, #tpu.memory_space<vmem>>
      %dma_start3A_53 = arith.constant 0 : i32
      %dma_start3A_54 = tpu.memref_slice %arg7[%dma_start3A_47, %dma_start3A_53] : memref<80x128xi32, #tpu.memory_space<vmem>> -> memref<1x128xi32, #tpu.memory_space<vmem>>
      %dma_start3A_55 = tpu.memref_squeeze %dma_start3A_54 : memref<1x128xi32, #tpu.memory_space<vmem>> -> memref<128xi32, #tpu.memory_space<vmem>>
      %dma_start3A_56 = arith.constant 0 : i32
      %dma_start3A_57 = arith.constant 0 : i32
      %dma_start3A_58 = tpu.memref_slice %arg2[%dma_start3A_56, %dma_start3A_57] : memref<10000x32xf32, #tpu.memory_space<hbm>> -> memref<10000x32xf32, #tpu.memory_space<hbm>>
      tpu.enqueue_indirect_dma source(%dma_start3A_58 : memref<10000x32xf32, #tpu.memory_space<hbm>>) target(%dma_start3A_52 : memref<128x32xf32, #tpu.memory_space<vmem>>) offsets(%dma_start3A_55 : memref<128xi32, #tpu.memory_space<vmem>>) semaphore(%arg15 : memref<!tpu.dma_semaphore, #tpu.memory_space<semaphore_mem>>)
      %dma_start3A_59 = arith.constant 4 : i32
      %dma_start3A_60 = arith.constant 4 : i32
      %dma_start3A_61 = arith.constant 0 : i32
      %dma_start3A_62 = arith.constant 0 : i32
      %dma_start3A_63 = tpu.memref_slice %arg9[%dma_start3A_60, %dma_start3A_61, %dma_start3A_62] : memref<8x128x32xf32, #tpu.memory_space<vmem>> -> memref<1x128x32xf32, #tpu.memory_space<vmem>>
      %dma_start3A_64 = tpu.memref_squeeze %dma_start3A_63 : memref<1x128x32xf32, #tpu.memory_space<vmem>> -> memref<128x32xf32, #tpu.memory_space<vmem>>
      %dma_start3A_65 = arith.constant 0 : i32
      %dma_start3A_66 = tpu.memref_slice %arg7[%dma_start3A_59, %dma_start3A_65] : memref<80x128xi32, #tpu.memory_space<vmem>> -> memref<1x128xi32, #tpu.memory_space<vmem>>
      %dma_start3A_67 = tpu.memref_squeeze %dma_start3A_66 : memref<1x128xi32, #tpu.memory_space<vmem>> -> memref<128xi32, #tpu.memory_space<vmem>>
      %dma_start3A_68 = arith.constant 0 : i32
      %dma_start3A_69 = arith.constant 0 : i32
      %dma_start3A_70 = tpu.memref_slice %arg2[%dma_start3A_68, %dma_start3A_69] : memref<10000x32xf32, #tpu.memory_space<hbm>> -> memref<10000x32xf32, #tpu.memory_space<hbm>>
      tpu.enqueue_indirect_dma source(%dma_start3A_70 : memref<10000x32xf32, #tpu.memory_space<hbm>>) target(%dma_start3A_64 : memref<128x32xf32, #tpu.memory_space<vmem>>) offsets(%dma_start3A_67 : memref<128xi32, #tpu.memory_space<vmem>>) semaphore(%arg16 : memref<!tpu.dma_semaphore, #tpu.memory_space<semaphore_mem>>)
      %dma_start3A_71 = arith.constant 5 : i32
      %dma_start3A_72 = arith.constant 5 : i32
      %dma_start3A_73 = arith.constant 0 : i32
      %dma_start3A_74 = arith.constant 0 : i32
      %dma_start3A_75 = tpu.memref_slice %arg9[%dma_start3A_72, %dma_start3A_73, %dma_start3A_74] : memref<8x128x32xf32, #tpu.memory_space<vmem>> -> memref<1x128x32xf32, #tpu.memory_space<vmem>>
      %dma_start3A_76 = tpu.memref_squeeze %dma_start3A_75 : memref<1x128x32xf32, #tpu.memory_space<vmem>> -> memref<128x32xf32, #tpu.memory_space<vmem>>
      %dma_start3A_77 = arith.constant 0 : i32
      %dma_start3A_78 = tpu.memref_slice %arg7[%dma_start3A_71, %dma_start3A_77] : memref<80x128xi32, #tpu.memory_space<vmem>> -> memref<1x128xi32, #tpu.memory_space<vmem>>
      %dma_start3A_79 = tpu.memref_squeeze %dma_start3A_78 : memref<1x128xi32, #tpu.memory_space<vmem>> -> memref<128xi32, #tpu.memory_space<vmem>>
      %dma_start3A_80 = arith.constant 0 : i32
      %dma_start3A_81 = arith.constant 0 : i32
      %dma_start3A_82 = tpu.memref_slice %arg2[%dma_start3A_80, %dma_start3A_81] : memref<10000x32xf32, #tpu.memory_space<hbm>> -> memref<10000x32xf32, #tpu.memory_space<hbm>>
      tpu.enqueue_indirect_dma source(%dma_start3A_82 : memref<10000x32xf32, #tpu.memory_space<hbm>>) target(%dma_start3A_76 : memref<128x32xf32, #tpu.memory_space<vmem>>) offsets(%dma_start3A_79 : memref<128xi32, #tpu.memory_space<vmem>>) semaphore(%arg17 : memref<!tpu.dma_semaphore, #tpu.memory_space<semaphore_mem>>)
      %dma_start3A_83 = arith.constant 6 : i32
      %dma_start3A_84 = arith.constant 6 : i32
      %dma_start3A_85 = arith.constant 0 : i32
      %dma_start3A_86 = arith.constant 0 : i32
      %dma_start3A_87 = tpu.memref_slice %arg9[%dma_start3A_84, %dma_start3A_85, %dma_start3A_86] : memref<8x128x32xf32, #tpu.memory_space<vmem>> -> memref<1x128x32xf32, #tpu.memory_space<vmem>>
      %dma_start3A_88 = tpu.memref_squeeze %dma_start3A_87 : memref<1x128x32xf32, #tpu.memory_space<vmem>> -> memref<128x32xf32, #tpu.memory_space<vmem>>
      %dma_start3A_89 = arith.constant 0 : i32
      %dma_start3A_90 = tpu.memref_slice %arg7[%dma_start3A_83, %dma_start3A_89] : memref<80x128xi32, #tpu.memory_space<vmem>> -> memref<1x128xi32, #tpu.memory_space<vmem>>
      %dma_start3A_91 = tpu.memref_squeeze %dma_start3A_90 : memref<1x128xi32, #tpu.memory_space<vmem>> -> memref<128xi32, #tpu.memory_space<vmem>>
      %dma_start3A_92 = arith.constant 0 : i32
      %dma_start3A_93 = arith.constant 0 : i32
      %dma_start3A_94 = tpu.memref_slice %arg2[%dma_start3A_92, %dma_start3A_93] : memref<10000x32xf32, #tpu.memory_space<hbm>> -> memref<10000x32xf32, #tpu.memory_space<hbm>>
      tpu.enqueue_indirect_dma source(%dma_start3A_94 : memref<10000x32xf32, #tpu.memory_space<hbm>>) target(%dma_start3A_88 : memref<128x32xf32, #tpu.memory_space<vmem>>) offsets(%dma_start3A_91 : memref<128xi32, #tpu.memory_space<vmem>>) semaphore(%arg18 : memref<!tpu.dma_semaphore, #tpu.memory_space<semaphore_mem>>)
      %dma_start3A_95 = arith.constant 7 : i32
      %dma_start3A_96 = arith.constant 7 : i32
      %dma_start3A_97 = arith.constant 0 : i32
      %dma_start3A_98 = arith.constant 0 : i32
      %dma_start3A_99 = tpu.memref_slice %arg9[%dma_start3A_96, %dma_start3A_97, %dma_start3A_98] : memref<8x128x32xf32, #tpu.memory_space<vmem>> -> memref<1x128x32xf32, #tpu.memory_space<vmem>>
      %dma_start3A_100 = tpu.memref_squeeze %dma_start3A_99 : memref<1x128x32xf32, #tpu.memory_space<vmem>> -> memref<128x32xf32, #tpu.memory_space<vmem>>
      %dma_start3A_101 = arith.constant 0 : i32
      %dma_start3A_102 = tpu.memref_slice %arg7[%dma_start3A_95, %dma_start3A_101] : memref<80x128xi32, #tpu.memory_space<vmem>> -> memref<1x128xi32, #tpu.memory_space<vmem>>
      %dma_start3A_103 = tpu.memref_squeeze %dma_start3A_102 : memref<1x128xi32, #tpu.memory_space<vmem>> -> memref<128xi32, #tpu.memory_space<vmem>>
      %dma_start3A_104 = arith.constant 0 : i32
      %dma_start3A_105 = arith.constant 0 : i32
      %dma_start3A_106 = tpu.memref_slice %arg2[%dma_start3A_104, %dma_start3A_105] : memref<10000x32xf32, #tpu.memory_space<hbm>> -> memref<10000x32xf32, #tpu.memory_space<hbm>>
      tpu.enqueue_indirect_dma source(%dma_start3A_106 : memref<10000x32xf32, #tpu.memory_space<hbm>>) target(%dma_start3A_100 : memref<128x32xf32, #tpu.memory_space<vmem>>) offsets(%dma_start3A_103 : memref<128xi32, #tpu.memory_space<vmem>>) semaphore(%arg19 : memref<!tpu.dma_semaphore, #tpu.memory_space<semaphore_mem>>)
      %scan3A = arith.constant 0 : i32
      %scan3A_107 = arith.constant 0 : i32
      %scan3A_108 = arith.constant 10 : i32
      %scan3A_109 = arith.addi %scan3A_107, %scan3A_108 : i32
      %scan3A_110 = arith.constant 1 : i32
      scf.for %scan3A_112 = %scan3A_107 to %scan3A_109 step %scan3A_110  : i32 {
        %mul3A_113 = arith.constant 8 : i32
        %mul3A_114 = arith.muli %scan3A_112, %mul3A_113 : i32
        %add3A_115 = arith.constant 0 : i32
        %add3A_116 = arith.addi %mul3A_114, %add3A_115 : i32
        %dma_wait3A = arith.constant 0 : i32
        %dma_wait3A_117 = arith.constant 0 : i32
        %dma_wait3A_118 = arith.constant 0 : i32
        %dma_wait3A_119 = tpu.memref_slice %arg9[%dma_wait3A, %dma_wait3A_117, %dma_wait3A_118] : memref<8x128x32xf32, #tpu.memory_space<vmem>> -> memref<1x128x32xf32, #tpu.memory_space<vmem>>
        %dma_wait3A_120 = tpu.memref_squeeze %dma_wait3A_119 : memref<1x128x32xf32, #tpu.memory_space<vmem>> -> memref<128x32xf32, #tpu.memory_space<vmem>>
        %dma_wait3A_121 = arith.constant 0 : i32
        %dma_wait3A_122 = tpu.memref_slice %arg7[%add3A_116, %dma_wait3A_121] : memref<80x128xi32, #tpu.memory_space<vmem>> -> memref<1x128xi32, #tpu.memory_space<vmem>>
        %dma_wait3A_123 = tpu.memref_squeeze %dma_wait3A_122 : memref<1x128xi32, #tpu.memory_space<vmem>> -> memref<128xi32, #tpu.memory_space<vmem>>
        %dma_wait3A_124 = arith.constant 0 : i32
        %dma_wait3A_125 = arith.constant 0 : i32
        %dma_wait3A_126 = tpu.memref_slice %arg2[%dma_wait3A_124, %dma_wait3A_125] : memref<10000x32xf32, #tpu.memory_space<hbm>> -> memref<10000x32xf32, #tpu.memory_space<hbm>>
        tpu.wait_indirect_dma semaphore(%arg12 : memref<!tpu.dma_semaphore, #tpu.memory_space<semaphore_mem>>) src(%dma_wait3A_126 : memref<10000x32xf32, #tpu.memory_space<hbm>>) dst(%dma_wait3A_120 : memref<128x32xf32, #tpu.memory_space<vmem>>)
        %add3A_127 = arith.constant 0 : i32
        %add3A_128 = arith.addi %mul3A_114, %add3A_127 : i32
        %dma_start3A_129 = arith.constant 0 : i32
        %dma_start3A_130 = arith.constant 0 : i32
        %dma_start3A_131 = arith.constant 0 : i32
        %dma_start3A_132 = tpu.memref_slice %arg9[%dma_start3A_129, %dma_start3A_130, %dma_start3A_131] : memref<8x128x32xf32, #tpu.memory_space<vmem>> -> memref<1x128x32xf32, #tpu.memory_space<vmem>>
        %dma_start3A_133 = tpu.memref_squeeze %dma_start3A_132 : memref<1x128x32xf32, #tpu.memory_space<vmem>> -> memref<128x32xf32, #tpu.memory_space<vmem>>
        %dma_start3A_134 = arith.constant 0 : i32
        %dma_start3A_135 = tpu.memref_slice %arg8[%add3A_128, %dma_start3A_134] : memref<80x128xi32, #tpu.memory_space<vmem>> -> memref<1x128xi32, #tpu.memory_space<vmem>>
        %dma_start3A_136 = tpu.memref_squeeze %dma_start3A_135 : memref<1x128xi32, #tpu.memory_space<vmem>> -> memref<128xi32, #tpu.memory_space<vmem>>
        %dma_start3A_137 = arith.constant 0 : i32
        %dma_start3A_138 = arith.constant 0 : i32
        %dma_start3A_139 = tpu.memref_slice %arg11[%dma_start3A_137, %dma_start3A_138] : memref<10112x32xf32, #tpu.memory_space<vmem_shared>> -> memref<10112x32xf32, #tpu.memory_space<vmem_shared>>
        tpu.enqueue_indirect_dma source(%dma_start3A_133 : memref<128x32xf32, #tpu.memory_space<vmem>>) target(%dma_start3A_139 : memref<10112x32xf32, #tpu.memory_space<vmem_shared>>) offsets(%dma_start3A_136 : memref<128xi32, #tpu.memory_space<vmem>>) semaphore(%arg20 : memref<!tpu.dma_semaphore, #tpu.memory_space<semaphore_mem>>) {add = true}
        %add3A_140 = arith.constant 1 : i32
        %add3A_141 = arith.addi %mul3A_114, %add3A_140 : i32
        %dma_wait3A_142 = arith.constant 1 : i32
        %dma_wait3A_143 = arith.constant 0 : i32
        %dma_wait3A_144 = arith.constant 0 : i32
        %dma_wait3A_145 = tpu.memref_slice %arg9[%dma_wait3A_142, %dma_wait3A_143, %dma_wait3A_144] : memref<8x128x32xf32, #tpu.memory_space<vmem>> -> memref<1x128x32xf32, #tpu.memory_space<vmem>>
        %dma_wait3A_146 = tpu.memref_squeeze %dma_wait3A_145 : memref<1x128x32xf32, #tpu.memory_space<vmem>> -> memref<128x32xf32, #tpu.memory_space<vmem>>
        %dma_wait3A_147 = arith.constant 0 : i32
        %dma_wait3A_148 = tpu.memref_slice %arg7[%add3A_141, %dma_wait3A_147] : memref<80x128xi32, #tpu.memory_space<vmem>> -> memref<1x128xi32, #tpu.memory_space<vmem>>
        %dma_wait3A_149 = tpu.memref_squeeze %dma_wait3A_148 : memref<1x128xi32, #tpu.memory_space<vmem>> -> memref<128xi32, #tpu.memory_space<vmem>>
        %dma_wait3A_150 = arith.constant 0 : i32
        %dma_wait3A_151 = arith.constant 0 : i32
        %dma_wait3A_152 = tpu.memref_slice %arg2[%dma_wait3A_150, %dma_wait3A_151] : memref<10000x32xf32, #tpu.memory_space<hbm>> -> memref<10000x32xf32, #tpu.memory_space<hbm>>
        tpu.wait_indirect_dma semaphore(%arg13 : memref<!tpu.dma_semaphore, #tpu.memory_space<semaphore_mem>>) src(%dma_wait3A_152 : memref<10000x32xf32, #tpu.memory_space<hbm>>) dst(%dma_wait3A_146 : memref<128x32xf32, #tpu.memory_space<vmem>>)
        %add3A_153 = arith.constant 1 : i32
        %add3A_154 = arith.addi %mul3A_114, %add3A_153 : i32
        %dma_start3A_155 = arith.constant 1 : i32
        %dma_start3A_156 = arith.constant 0 : i32
        %dma_start3A_157 = arith.constant 0 : i32
        %dma_start3A_158 = tpu.memref_slice %arg9[%dma_start3A_155, %dma_start3A_156, %dma_start3A_157] : memref<8x128x32xf32, #tpu.memory_space<vmem>> -> memref<1x128x32xf32, #tpu.memory_space<vmem>>
        %dma_start3A_159 = tpu.memref_squeeze %dma_start3A_158 : memref<1x128x32xf32, #tpu.memory_space<vmem>> -> memref<128x32xf32, #tpu.memory_space<vmem>>
        %dma_start3A_160 = arith.constant 0 : i32
        %dma_start3A_161 = tpu.memref_slice %arg8[%add3A_154, %dma_start3A_160] : memref<80x128xi32, #tpu.memory_space<vmem>> -> memref<1x128xi32, #tpu.memory_space<vmem>>
        %dma_start3A_162 = tpu.memref_squeeze %dma_start3A_161 : memref<1x128xi32, #tpu.memory_space<vmem>> -> memref<128xi32, #tpu.memory_space<vmem>>
        %dma_start3A_163 = arith.constant 0 : i32
        %dma_start3A_164 = arith.constant 0 : i32
        %dma_start3A_165 = tpu.memref_slice %arg11[%dma_start3A_163, %dma_start3A_164] : memref<10112x32xf32, #tpu.memory_space<vmem_shared>> -> memref<10112x32xf32, #tpu.memory_space<vmem_shared>>
        tpu.enqueue_indirect_dma source(%dma_start3A_159 : memref<128x32xf32, #tpu.memory_space<vmem>>) target(%dma_start3A_165 : memref<10112x32xf32, #tpu.memory_space<vmem_shared>>) offsets(%dma_start3A_162 : memref<128xi32, #tpu.memory_space<vmem>>) semaphore(%arg21 : memref<!tpu.dma_semaphore, #tpu.memory_space<semaphore_mem>>) {add = true}
        %add3A_166 = arith.constant 2 : i32
        %add3A_167 = arith.addi %mul3A_114, %add3A_166 : i32
        %dma_wait3A_168 = arith.constant 2 : i32
        %dma_wait3A_169 = arith.constant 0 : i32
        %dma_wait3A_170 = arith.constant 0 : i32
        %dma_wait3A_171 = tpu.memref_slice %arg9[%dma_wait3A_168, %dma_wait3A_169, %dma_wait3A_170] : memref<8x128x32xf32, #tpu.memory_space<vmem>> -> memref<1x128x32xf32, #tpu.memory_space<vmem>>
        %dma_wait3A_172 = tpu.memref_squeeze %dma_wait3A_171 : memref<1x128x32xf32, #tpu.memory_space<vmem>> -> memref<128x32xf32, #tpu.memory_space<vmem>>
        %dma_wait3A_173 = arith.constant 0 : i32
        %dma_wait3A_174 = tpu.memref_slice %arg7[%add3A_167, %dma_wait3A_173] : memref<80x128xi32, #tpu.memory_space<vmem>> -> memref<1x128xi32, #tpu.memory_space<vmem>>
        %dma_wait3A_175 = tpu.memref_squeeze %dma_wait3A_174 : memref<1x128xi32, #tpu.memory_space<vmem>> -> memref<128xi32, #tpu.memory_space<vmem>>
        %dma_wait3A_176 = arith.constant 0 : i32
        %dma_wait3A_177 = arith.constant 0 : i32
        %dma_wait3A_178 = tpu.memref_slice %arg2[%dma_wait3A_176, %dma_wait3A_177] : memref<10000x32xf32, #tpu.memory_space<hbm>> -> memref<10000x32xf32, #tpu.memory_space<hbm>>
        tpu.wait_indirect_dma semaphore(%arg14 : memref<!tpu.dma_semaphore, #tpu.memory_space<semaphore_mem>>) src(%dma_wait3A_178 : memref<10000x32xf32, #tpu.memory_space<hbm>>) dst(%dma_wait3A_172 : memref<128x32xf32, #tpu.memory_space<vmem>>)
        %add3A_179 = arith.constant 2 : i32
        %add3A_180 = arith.addi %mul3A_114, %add3A_179 : i32
        %dma_start3A_181 = arith.constant 2 : i32
        %dma_start3A_182 = arith.constant 0 : i32
        %dma_start3A_183 = arith.constant 0 : i32
        %dma_start3A_184 = tpu.memref_slice %arg9[%dma_start3A_181, %dma_start3A_182, %dma_start3A_183] : memref<8x128x32xf32, #tpu.memory_space<vmem>> -> memref<1x128x32xf32, #tpu.memory_space<vmem>>
        %dma_start3A_185 = tpu.memref_squeeze %dma_start3A_184 : memref<1x128x32xf32, #tpu.memory_space<vmem>> -> memref<128x32xf32, #tpu.memory_space<vmem>>
        %dma_start3A_186 = arith.constant 0 : i32
        %dma_start3A_187 = tpu.memref_slice %arg8[%add3A_180, %dma_start3A_186] : memref<80x128xi32, #tpu.memory_space<vmem>> -> memref<1x128xi32, #tpu.memory_space<vmem>>
        %dma_start3A_188 = tpu.memref_squeeze %dma_start3A_187 : memref<1x128xi32, #tpu.memory_space<vmem>> -> memref<128xi32, #tpu.memory_space<vmem>>
        %dma_start3A_189 = arith.constant 0 : i32
        %dma_start3A_190 = arith.constant 0 : i32
        %dma_start3A_191 = tpu.memref_slice %arg11[%dma_start3A_189, %dma_start3A_190] : memref<10112x32xf32, #tpu.memory_space<vmem_shared>> -> memref<10112x32xf32, #tpu.memory_space<vmem_shared>>
        tpu.enqueue_indirect_dma source(%dma_start3A_185 : memref<128x32xf32, #tpu.memory_space<vmem>>) target(%dma_start3A_191 : memref<10112x32xf32, #tpu.memory_space<vmem_shared>>) offsets(%dma_start3A_188 : memref<128xi32, #tpu.memory_space<vmem>>) semaphore(%arg22 : memref<!tpu.dma_semaphore, #tpu.memory_space<semaphore_mem>>) {add = true}
        %add3A_192 = arith.constant 3 : i32
        %add3A_193 = arith.addi %mul3A_114, %add3A_192 : i32
        %dma_wait3A_194 = arith.constant 3 : i32
        %dma_wait3A_195 = arith.constant 0 : i32
        %dma_wait3A_196 = arith.constant 0 : i32
        %dma_wait3A_197 = tpu.memref_slice %arg9[%dma_wait3A_194, %dma_wait3A_195, %dma_wait3A_196] : memref<8x128x32xf32, #tpu.memory_space<vmem>> -> memref<1x128x32xf32, #tpu.memory_space<vmem>>
        %dma_wait3A_198 = tpu.memref_squeeze %dma_wait3A_197 : memref<1x128x32xf32, #tpu.memory_space<vmem>> -> memref<128x32xf32, #tpu.memory_space<vmem>>
        %dma_wait3A_199 = arith.constant 0 : i32
        %dma_wait3A_200 = tpu.memref_slice %arg7[%add3A_193, %dma_wait3A_199] : memref<80x128xi32, #tpu.memory_space<vmem>> -> memref<1x128xi32, #tpu.memory_space<vmem>>
        %dma_wait3A_201 = tpu.memref_squeeze %dma_wait3A_200 : memref<1x128xi32, #tpu.memory_space<vmem>> -> memref<128xi32, #tpu.memory_space<vmem>>
        %dma_wait3A_202 = arith.constant 0 : i32
        %dma_wait3A_203 = arith.constant 0 : i32
        %dma_wait3A_204 = tpu.memref_slice %arg2[%dma_wait3A_202, %dma_wait3A_203] : memref<10000x32xf32, #tpu.memory_space<hbm>> -> memref<10000x32xf32, #tpu.memory_space<hbm>>
        tpu.wait_indirect_dma semaphore(%arg15 : memref<!tpu.dma_semaphore, #tpu.memory_space<semaphore_mem>>) src(%dma_wait3A_204 : memref<10000x32xf32, #tpu.memory_space<hbm>>) dst(%dma_wait3A_198 : memref<128x32xf32, #tpu.memory_space<vmem>>)
        %add3A_205 = arith.constant 3 : i32
        %add3A_206 = arith.addi %mul3A_114, %add3A_205 : i32
        %dma_start3A_207 = arith.constant 3 : i32
        %dma_start3A_208 = arith.constant 0 : i32
        %dma_start3A_209 = arith.constant 0 : i32
        %dma_start3A_210 = tpu.memref_slice %arg9[%dma_start3A_207, %dma_start3A_208, %dma_start3A_209] : memref<8x128x32xf32, #tpu.memory_space<vmem>> -> memref<1x128x32xf32, #tpu.memory_space<vmem>>
        %dma_start3A_211 = tpu.memref_squeeze %dma_start3A_210 : memref<1x128x32xf32, #tpu.memory_space<vmem>> -> memref<128x32xf32, #tpu.memory_space<vmem>>
        %dma_start3A_212 = arith.constant 0 : i32
        %dma_start3A_213 = tpu.memref_slice %arg8[%add3A_206, %dma_start3A_212] : memref<80x128xi32, #tpu.memory_space<vmem>> -> memref<1x128xi32, #tpu.memory_space<vmem>>
        %dma_start3A_214 = tpu.memref_squeeze %dma_start3A_213 : memref<1x128xi32, #tpu.memory_space<vmem>> -> memref<128xi32, #tpu.memory_space<vmem>>
        %dma_start3A_215 = arith.constant 0 : i32
        %dma_start3A_216 = arith.constant 0 : i32
        %dma_start3A_217 = tpu.memref_slice %arg11[%dma_start3A_215, %dma_start3A_216] : memref<10112x32xf32, #tpu.memory_space<vmem_shared>> -> memref<10112x32xf32, #tpu.memory_space<vmem_shared>>
        tpu.enqueue_indirect_dma source(%dma_start3A_211 : memref<128x32xf32, #tpu.memory_space<vmem>>) target(%dma_start3A_217 : memref<10112x32xf32, #tpu.memory_space<vmem_shared>>) offsets(%dma_start3A_214 : memref<128xi32, #tpu.memory_space<vmem>>) semaphore(%arg23 : memref<!tpu.dma_semaphore, #tpu.memory_space<semaphore_mem>>) {add = true}
        %add3A_218 = arith.constant 4 : i32
        %add3A_219 = arith.addi %mul3A_114, %add3A_218 : i32
        %dma_wait3A_220 = arith.constant 4 : i32
        %dma_wait3A_221 = arith.constant 0 : i32
        %dma_wait3A_222 = arith.constant 0 : i32
        %dma_wait3A_223 = tpu.memref_slice %arg9[%dma_wait3A_220, %dma_wait3A_221, %dma_wait3A_222] : memref<8x128x32xf32, #tpu.memory_space<vmem>> -> memref<1x128x32xf32, #tpu.memory_space<vmem>>
        %dma_wait3A_224 = tpu.memref_squeeze %dma_wait3A_223 : memref<1x128x32xf32, #tpu.memory_space<vmem>> -> memref<128x32xf32, #tpu.memory_space<vmem>>
        %dma_wait3A_225 = arith.constant 0 : i32
        %dma_wait3A_226 = tpu.memref_slice %arg7[%add3A_219, %dma_wait3A_225] : memref<80x128xi32, #tpu.memory_space<vmem>> -> memref<1x128xi32, #tpu.memory_space<vmem>>
        %dma_wait3A_227 = tpu.memref_squeeze %dma_wait3A_226 : memref<1x128xi32, #tpu.memory_space<vmem>> -> memref<128xi32, #tpu.memory_space<vmem>>
        %dma_wait3A_228 = arith.constant 0 : i32
        %dma_wait3A_229 = arith.constant 0 : i32
        %dma_wait3A_230 = tpu.memref_slice %arg2[%dma_wait3A_228, %dma_wait3A_229] : memref<10000x32xf32, #tpu.memory_space<hbm>> -> memref<10000x32xf32, #tpu.memory_space<hbm>>
        tpu.wait_indirect_dma semaphore(%arg16 : memref<!tpu.dma_semaphore, #tpu.memory_space<semaphore_mem>>) src(%dma_wait3A_230 : memref<10000x32xf32, #tpu.memory_space<hbm>>) dst(%dma_wait3A_224 : memref<128x32xf32, #tpu.memory_space<vmem>>)
        %add3A_231 = arith.constant 4 : i32
        %add3A_232 = arith.addi %mul3A_114, %add3A_231 : i32
        %dma_start3A_233 = arith.constant 4 : i32
        %dma_start3A_234 = arith.constant 0 : i32
        %dma_start3A_235 = arith.constant 0 : i32
        %dma_start3A_236 = tpu.memref_slice %arg9[%dma_start3A_233, %dma_start3A_234, %dma_start3A_235] : memref<8x128x32xf32, #tpu.memory_space<vmem>> -> memref<1x128x32xf32, #tpu.memory_space<vmem>>
        %dma_start3A_237 = tpu.memref_squeeze %dma_start3A_236 : memref<1x128x32xf32, #tpu.memory_space<vmem>> -> memref<128x32xf32, #tpu.memory_space<vmem>>
        %dma_start3A_238 = arith.constant 0 : i32
        %dma_start3A_239 = tpu.memref_slice %arg8[%add3A_232, %dma_start3A_238] : memref<80x128xi32, #tpu.memory_space<vmem>> -> memref<1x128xi32, #tpu.memory_space<vmem>>
        %dma_start3A_240 = tpu.memref_squeeze %dma_start3A_239 : memref<1x128xi32, #tpu.memory_space<vmem>> -> memref<128xi32, #tpu.memory_space<vmem>>
        %dma_start3A_241 = arith.constant 0 : i32
        %dma_start3A_242 = arith.constant 0 : i32
        %dma_start3A_243 = tpu.memref_slice %arg11[%dma_start3A_241, %dma_start3A_242] : memref<10112x32xf32, #tpu.memory_space<vmem_shared>> -> memref<10112x32xf32, #tpu.memory_space<vmem_shared>>
        tpu.enqueue_indirect_dma source(%dma_start3A_237 : memref<128x32xf32, #tpu.memory_space<vmem>>) target(%dma_start3A_243 : memref<10112x32xf32, #tpu.memory_space<vmem_shared>>) offsets(%dma_start3A_240 : memref<128xi32, #tpu.memory_space<vmem>>) semaphore(%arg24 : memref<!tpu.dma_semaphore, #tpu.memory_space<semaphore_mem>>) {add = true}
        %add3A_244 = arith.constant 5 : i32
        %add3A_245 = arith.addi %mul3A_114, %add3A_244 : i32
        %dma_wait3A_246 = arith.constant 5 : i32
        %dma_wait3A_247 = arith.constant 0 : i32
        %dma_wait3A_248 = arith.constant 0 : i32
        %dma_wait3A_249 = tpu.memref_slice %arg9[%dma_wait3A_246, %dma_wait3A_247, %dma_wait3A_248] : memref<8x128x32xf32, #tpu.memory_space<vmem>> -> memref<1x128x32xf32, #tpu.memory_space<vmem>>
        %dma_wait3A_250 = tpu.memref_squeeze %dma_wait3A_249 : memref<1x128x32xf32, #tpu.memory_space<vmem>> -> memref<128x32xf32, #tpu.memory_space<vmem>>
        %dma_wait3A_251 = arith.constant 0 : i32
        %dma_wait3A_252 = tpu.memref_slice %arg7[%add3A_245, %dma_wait3A_251] : memref<80x128xi32, #tpu.memory_space<vmem>> -> memref<1x128xi32, #tpu.memory_space<vmem>>
        %dma_wait3A_253 = tpu.memref_squeeze %dma_wait3A_252 : memref<1x128xi32, #tpu.memory_space<vmem>> -> memref<128xi32, #tpu.memory_space<vmem>>
        %dma_wait3A_254 = arith.constant 0 : i32
        %dma_wait3A_255 = arith.constant 0 : i32
        %dma_wait3A_256 = tpu.memref_slice %arg2[%dma_wait3A_254, %dma_wait3A_255] : memref<10000x32xf32, #tpu.memory_space<hbm>> -> memref<10000x32xf32, #tpu.memory_space<hbm>>
        tpu.wait_indirect_dma semaphore(%arg17 : memref<!tpu.dma_semaphore, #tpu.memory_space<semaphore_mem>>) src(%dma_wait3A_256 : memref<10000x32xf32, #tpu.memory_space<hbm>>) dst(%dma_wait3A_250 : memref<128x32xf32, #tpu.memory_space<vmem>>)
        %add3A_257 = arith.constant 5 : i32
        %add3A_258 = arith.addi %mul3A_114, %add3A_257 : i32
        %dma_start3A_259 = arith.constant 5 : i32
        %dma_start3A_260 = arith.constant 0 : i32
        %dma_start3A_261 = arith.constant 0 : i32
        %dma_start3A_262 = tpu.memref_slice %arg9[%dma_start3A_259, %dma_start3A_260, %dma_start3A_261] : memref<8x128x32xf32, #tpu.memory_space<vmem>> -> memref<1x128x32xf32, #tpu.memory_space<vmem>>
        %dma_start3A_263 = tpu.memref_squeeze %dma_start3A_262 : memref<1x128x32xf32, #tpu.memory_space<vmem>> -> memref<128x32xf32, #tpu.memory_space<vmem>>
        %dma_start3A_264 = arith.constant 0 : i32
        %dma_start3A_265 = tpu.memref_slice %arg8[%add3A_258, %dma_start3A_264] : memref<80x128xi32, #tpu.memory_space<vmem>> -> memref<1x128xi32, #tpu.memory_space<vmem>>
        %dma_start3A_266 = tpu.memref_squeeze %dma_start3A_265 : memref<1x128xi32, #tpu.memory_space<vmem>> -> memref<128xi32, #tpu.memory_space<vmem>>
        %dma_start3A_267 = arith.constant 0 : i32
        %dma_start3A_268 = arith.constant 0 : i32
        %dma_start3A_269 = tpu.memref_slice %arg11[%dma_start3A_267, %dma_start3A_268] : memref<10112x32xf32, #tpu.memory_space<vmem_shared>> -> memref<10112x32xf32, #tpu.memory_space<vmem_shared>>
        tpu.enqueue_indirect_dma source(%dma_start3A_263 : memref<128x32xf32, #tpu.memory_space<vmem>>) target(%dma_start3A_269 : memref<10112x32xf32, #tpu.memory_space<vmem_shared>>) offsets(%dma_start3A_266 : memref<128xi32, #tpu.memory_space<vmem>>) semaphore(%arg25 : memref<!tpu.dma_semaphore, #tpu.memory_space<semaphore_mem>>) {add = true}
        %add3A_270 = arith.constant 6 : i32
        %add3A_271 = arith.addi %mul3A_114, %add3A_270 : i32
        %dma_wait3A_272 = arith.constant 6 : i32
        %dma_wait3A_273 = arith.constant 0 : i32
        %dma_wait3A_274 = arith.constant 0 : i32
        %dma_wait3A_275 = tpu.memref_slice %arg9[%dma_wait3A_272, %dma_wait3A_273, %dma_wait3A_274] : memref<8x128x32xf32, #tpu.memory_space<vmem>> -> memref<1x128x32xf32, #tpu.memory_space<vmem>>
        %dma_wait3A_276 = tpu.memref_squeeze %dma_wait3A_275 : memref<1x128x32xf32, #tpu.memory_space<vmem>> -> memref<128x32xf32, #tpu.memory_space<vmem>>
        %dma_wait3A_277 = arith.constant 0 : i32
        %dma_wait3A_278 = tpu.memref_slice %arg7[%add3A_271, %dma_wait3A_277] : memref<80x128xi32, #tpu.memory_space<vmem>> -> memref<1x128xi32, #tpu.memory_space<vmem>>
        %dma_wait3A_279 = tpu.memref_squeeze %dma_wait3A_278 : memref<1x128xi32, #tpu.memory_space<vmem>> -> memref<128xi32, #tpu.memory_space<vmem>>
        %dma_wait3A_280 = arith.constant 0 : i32
        %dma_wait3A_281 = arith.constant 0 : i32
        %dma_wait3A_282 = tpu.memref_slice %arg2[%dma_wait3A_280, %dma_wait3A_281] : memref<10000x32xf32, #tpu.memory_space<hbm>> -> memref<10000x32xf32, #tpu.memory_space<hbm>>
        tpu.wait_indirect_dma semaphore(%arg18 : memref<!tpu.dma_semaphore, #tpu.memory_space<semaphore_mem>>) src(%dma_wait3A_282 : memref<10000x32xf32, #tpu.memory_space<hbm>>) dst(%dma_wait3A_276 : memref<128x32xf32, #tpu.memory_space<vmem>>)
        %add3A_283 = arith.constant 6 : i32
        %add3A_284 = arith.addi %mul3A_114, %add3A_283 : i32
        %dma_start3A_285 = arith.constant 6 : i32
        %dma_start3A_286 = arith.constant 0 : i32
        %dma_start3A_287 = arith.constant 0 : i32
        %dma_start3A_288 = tpu.memref_slice %arg9[%dma_start3A_285, %dma_start3A_286, %dma_start3A_287] : memref<8x128x32xf32, #tpu.memory_space<vmem>> -> memref<1x128x32xf32, #tpu.memory_space<vmem>>
        %dma_start3A_289 = tpu.memref_squeeze %dma_start3A_288 : memref<1x128x32xf32, #tpu.memory_space<vmem>> -> memref<128x32xf32, #tpu.memory_space<vmem>>
        %dma_start3A_290 = arith.constant 0 : i32
        %dma_start3A_291 = tpu.memref_slice %arg8[%add3A_284, %dma_start3A_290] : memref<80x128xi32, #tpu.memory_space<vmem>> -> memref<1x128xi32, #tpu.memory_space<vmem>>
        %dma_start3A_292 = tpu.memref_squeeze %dma_start3A_291 : memref<1x128xi32, #tpu.memory_space<vmem>> -> memref<128xi32, #tpu.memory_space<vmem>>
        %dma_start3A_293 = arith.constant 0 : i32
        %dma_start3A_294 = arith.constant 0 : i32
        %dma_start3A_295 = tpu.memref_slice %arg11[%dma_start3A_293, %dma_start3A_294] : memref<10112x32xf32, #tpu.memory_space<vmem_shared>> -> memref<10112x32xf32, #tpu.memory_space<vmem_shared>>
        tpu.enqueue_indirect_dma source(%dma_start3A_289 : memref<128x32xf32, #tpu.memory_space<vmem>>) target(%dma_start3A_295 : memref<10112x32xf32, #tpu.memory_space<vmem_shared>>) offsets(%dma_start3A_292 : memref<128xi32, #tpu.memory_space<vmem>>) semaphore(%arg26 : memref<!tpu.dma_semaphore, #tpu.memory_space<semaphore_mem>>) {add = true}
        %add3A_296 = arith.constant 7 : i32
        %add3A_297 = arith.addi %mul3A_114, %add3A_296 : i32
        %dma_wait3A_298 = arith.constant 7 : i32
        %dma_wait3A_299 = arith.constant 0 : i32
        %dma_wait3A_300 = arith.constant 0 : i32
        %dma_wait3A_301 = tpu.memref_slice %arg9[%dma_wait3A_298, %dma_wait3A_299, %dma_wait3A_300] : memref<8x128x32xf32, #tpu.memory_space<vmem>> -> memref<1x128x32xf32, #tpu.memory_space<vmem>>
        %dma_wait3A_302 = tpu.memref_squeeze %dma_wait3A_301 : memref<1x128x32xf32, #tpu.memory_space<vmem>> -> memref<128x32xf32, #tpu.memory_space<vmem>>
        %dma_wait3A_303 = arith.constant 0 : i32
        %dma_wait3A_304 = tpu.memref_slice %arg7[%add3A_297, %dma_wait3A_303] : memref<80x128xi32, #tpu.memory_space<vmem>> -> memref<1x128xi32, #tpu.memory_space<vmem>>
        %dma_wait3A_305 = tpu.memref_squeeze %dma_wait3A_304 : memref<1x128xi32, #tpu.memory_space<vmem>> -> memref<128xi32, #tpu.memory_space<vmem>>
        %dma_wait3A_306 = arith.constant 0 : i32
        %dma_wait3A_307 = arith.constant 0 : i32
        %dma_wait3A_308 = tpu.memref_slice %arg2[%dma_wait3A_306, %dma_wait3A_307] : memref<10000x32xf32, #tpu.memory_space<hbm>> -> memref<10000x32xf32, #tpu.memory_space<hbm>>
        tpu.wait_indirect_dma semaphore(%arg19 : memref<!tpu.dma_semaphore, #tpu.memory_space<semaphore_mem>>) src(%dma_wait3A_308 : memref<10000x32xf32, #tpu.memory_space<hbm>>) dst(%dma_wait3A_302 : memref<128x32xf32, #tpu.memory_space<vmem>>)
        %add3A_309 = arith.constant 7 : i32
        %add3A_310 = arith.addi %mul3A_114, %add3A_309 : i32
        %dma_start3A_311 = arith.constant 7 : i32
        %dma_start3A_312 = arith.constant 0 : i32
        %dma_start3A_313 = arith.constant 0 : i32
        %dma_start3A_314 = tpu.memref_slice %arg9[%dma_start3A_311, %dma_start3A_312, %dma_start3A_313] : memref<8x128x32xf32, #tpu.memory_space<vmem>> -> memref<1x128x32xf32, #tpu.memory_space<vmem>>
        %dma_start3A_315 = tpu.memref_squeeze %dma_start3A_314 : memref<1x128x32xf32, #tpu.memory_space<vmem>> -> memref<128x32xf32, #tpu.memory_space<vmem>>
        %dma_start3A_316 = arith.constant 0 : i32
        %dma_start3A_317 = tpu.memref_slice %arg8[%add3A_310, %dma_start3A_316] : memref<80x128xi32, #tpu.memory_space<vmem>> -> memref<1x128xi32, #tpu.memory_space<vmem>>
        %dma_start3A_318 = tpu.memref_squeeze %dma_start3A_317 : memref<1x128xi32, #tpu.memory_space<vmem>> -> memref<128xi32, #tpu.memory_space<vmem>>
        %dma_start3A_319 = arith.constant 0 : i32
        %dma_start3A_320 = arith.constant 0 : i32
        %dma_start3A_321 = tpu.memref_slice %arg11[%dma_start3A_319, %dma_start3A_320] : memref<10112x32xf32, #tpu.memory_space<vmem_shared>> -> memref<10112x32xf32, #tpu.memory_space<vmem_shared>>
        tpu.enqueue_indirect_dma source(%dma_start3A_315 : memref<128x32xf32, #tpu.memory_space<vmem>>) target(%dma_start3A_321 : memref<10112x32xf32, #tpu.memory_space<vmem_shared>>) offsets(%dma_start3A_318 : memref<128xi32, #tpu.memory_space<vmem>>) semaphore(%arg27 : memref<!tpu.dma_semaphore, #tpu.memory_space<semaphore_mem>>) {add = true}
        %dma_wait3A_322 = arith.constant 0 : i32
        %dma_wait3A_323 = arith.constant 0 : i32
        %dma_wait3A_324 = arith.constant 0 : i32
        %dma_wait3A_325 = tpu.memref_slice %arg9[%dma_wait3A_322, %dma_wait3A_323, %dma_wait3A_324] : memref<8x128x32xf32, #tpu.memory_space<vmem>> -> memref<1x128x32xf32, #tpu.memory_space<vmem>>
        %dma_wait3A_326 = tpu.memref_squeeze %dma_wait3A_325 : memref<1x128x32xf32, #tpu.memory_space<vmem>> -> memref<128x32xf32, #tpu.memory_space<vmem>>
        %dma_wait3A_327 = arith.constant 0 : i32
        %dma_wait3A_328 = tpu.memref_slice %arg8[%add3A_128, %dma_wait3A_327] : memref<80x128xi32, #tpu.memory_space<vmem>> -> memref<1x128xi32, #tpu.memory_space<vmem>>
        %dma_wait3A_329 = tpu.memref_squeeze %dma_wait3A_328 : memref<1x128xi32, #tpu.memory_space<vmem>> -> memref<128xi32, #tpu.memory_space<vmem>>
        %dma_wait3A_330 = arith.constant 0 : i32
        %dma_wait3A_331 = arith.constant 0 : i32
        %dma_wait3A_332 = tpu.memref_slice %arg11[%dma_wait3A_330, %dma_wait3A_331] : memref<10112x32xf32, #tpu.memory_space<vmem_shared>> -> memref<10112x32xf32, #tpu.memory_space<vmem_shared>>
        tpu.wait_indirect_dma semaphore(%arg20 : memref<!tpu.dma_semaphore, #tpu.memory_space<semaphore_mem>>) src(%dma_wait3A_326 : memref<128x32xf32, #tpu.memory_space<vmem>>) dst(%dma_wait3A_332 : memref<10112x32xf32, #tpu.memory_space<vmem_shared>>)
        %add3A_333 = arith.constant 0 : i32
        %add3A_334 = arith.addi %mul3A_114, %add3A_333 : i32
        %add3A_335 = arith.constant 8 : i32
        %add3A_336 = arith.addi %add3A_334, %add3A_335 : i32
        %lt3A_337 = arith.constant 80 : i32
        %lt3A_338 = arith.cmpi slt, %add3A_336, %lt3A_337 : i32
        %convert_element_type3A_339 = arith.extui %lt3A_338 : i1 to i32
        %cond3A_340 = arith.constant 0 : i32
        %cond3A_341 = arith.cmpi ne, %convert_element_type3A_339, %cond3A_340 : i32
        scf.if %cond3A_341 {
          %add3A_482 = arith.constant 0 : i32
          %add3A_483 = arith.addi %mul3A_114, %add3A_482 : i32
          %add3A_484 = arith.constant 8 : i32
          %add3A_485 = arith.addi %add3A_483, %add3A_484 : i32
          %dma_start3A_486 = arith.constant 0 : i32
          %dma_start3A_487 = arith.constant 0 : i32
          %dma_start3A_488 = arith.constant 0 : i32
          %dma_start3A_489 = tpu.memref_slice %arg9[%dma_start3A_486, %dma_start3A_487, %dma_start3A_488] : memref<8x128x32xf32, #tpu.memory_space<vmem>> -> memref<1x128x32xf32, #tpu.memory_space<vmem>>
          %dma_start3A_490 = tpu.memref_squeeze %dma_start3A_489 : memref<1x128x32xf32, #tpu.memory_space<vmem>> -> memref<128x32xf32, #tpu.memory_space<vmem>>
          %dma_start3A_491 = arith.constant 0 : i32
          %dma_start3A_492 = tpu.memref_slice %arg7[%add3A_485, %dma_start3A_491] : memref<80x128xi32, #tpu.memory_space<vmem>> -> memref<1x128xi32, #tpu.memory_space<vmem>>
          %dma_start3A_493 = tpu.memref_squeeze %dma_start3A_492 : memref<1x128xi32, #tpu.memory_space<vmem>> -> memref<128xi32, #tpu.memory_space<vmem>>
          %dma_start3A_494 = arith.constant 0 : i32
          %dma_start3A_495 = arith.constant 0 : i32
          %dma_start3A_496 = tpu.memref_slice %arg2[%dma_start3A_494, %dma_start3A_495] : memref<10000x32xf32, #tpu.memory_space<hbm>> -> memref<10000x32xf32, #tpu.memory_space<hbm>>
          tpu.enqueue_indirect_dma source(%dma_start3A_496 : memref<10000x32xf32, #tpu.memory_space<hbm>>) target(%dma_start3A_490 : memref<128x32xf32, #tpu.memory_space<vmem>>) offsets(%dma_start3A_493 : memref<128xi32, #tpu.memory_space<vmem>>) semaphore(%arg12 : memref<!tpu.dma_semaphore, #tpu.memory_space<semaphore_mem>>)
        } else {
        }
        %dma_wait3A_342 = arith.constant 1 : i32
        %dma_wait3A_343 = arith.constant 0 : i32
        %dma_wait3A_344 = arith.constant 0 : i32
        %dma_wait3A_345 = tpu.memref_slice %arg9[%dma_wait3A_342, %dma_wait3A_343, %dma_wait3A_344] : memref<8x128x32xf32, #tpu.memory_space<vmem>> -> memref<1x128x32xf32, #tpu.memory_space<vmem>>
        %dma_wait3A_346 = tpu.memref_squeeze %dma_wait3A_345 : memref<1x128x32xf32, #tpu.memory_space<vmem>> -> memref<128x32xf32, #tpu.memory_space<vmem>>
        %dma_wait3A_347 = arith.constant 0 : i32
        %dma_wait3A_348 = tpu.memref_slice %arg8[%add3A_154, %dma_wait3A_347] : memref<80x128xi32, #tpu.memory_space<vmem>> -> memref<1x128xi32, #tpu.memory_space<vmem>>
        %dma_wait3A_349 = tpu.memref_squeeze %dma_wait3A_348 : memref<1x128xi32, #tpu.memory_space<vmem>> -> memref<128xi32, #tpu.memory_space<vmem>>
        %dma_wait3A_350 = arith.constant 0 : i32
        %dma_wait3A_351 = arith.constant 0 : i32
        %dma_wait3A_352 = tpu.memref_slice %arg11[%dma_wait3A_350, %dma_wait3A_351] : memref<10112x32xf32, #tpu.memory_space<vmem_shared>> -> memref<10112x32xf32, #tpu.memory_space<vmem_shared>>
        tpu.wait_indirect_dma semaphore(%arg21 : memref<!tpu.dma_semaphore, #tpu.memory_space<semaphore_mem>>) src(%dma_wait3A_346 : memref<128x32xf32, #tpu.memory_space<vmem>>) dst(%dma_wait3A_352 : memref<10112x32xf32, #tpu.memory_space<vmem_shared>>)
        %add3A_353 = arith.constant 1 : i32
        %add3A_354 = arith.addi %mul3A_114, %add3A_353 : i32
        %add3A_355 = arith.constant 8 : i32
        %add3A_356 = arith.addi %add3A_354, %add3A_355 : i32
        %lt3A_357 = arith.constant 80 : i32
        %lt3A_358 = arith.cmpi slt, %add3A_356, %lt3A_357 : i32
        %convert_element_type3A_359 = arith.extui %lt3A_358 : i1 to i32
        %cond3A_360 = arith.constant 0 : i32
        %cond3A_361 = arith.cmpi ne, %convert_element_type3A_359, %cond3A_360 : i32
        scf.if %cond3A_361 {
          %add3A_482 = arith.constant 1 : i32
          %add3A_483 = arith.addi %mul3A_114, %add3A_482 : i32
          %add3A_484 = arith.constant 8 : i32
          %add3A_485 = arith.addi %add3A_483, %add3A_484 : i32
          %dma_start3A_486 = arith.constant 1 : i32
          %dma_start3A_487 = arith.constant 0 : i32
          %dma_start3A_488 = arith.constant 0 : i32
          %dma_start3A_489 = tpu.memref_slice %arg9[%dma_start3A_486, %dma_start3A_487, %dma_start3A_488] : memref<8x128x32xf32, #tpu.memory_space<vmem>> -> memref<1x128x32xf32, #tpu.memory_space<vmem>>
          %dma_start3A_490 = tpu.memref_squeeze %dma_start3A_489 : memref<1x128x32xf32, #tpu.memory_space<vmem>> -> memref<128x32xf32, #tpu.memory_space<vmem>>
          %dma_start3A_491 = arith.constant 0 : i32
          %dma_start3A_492 = tpu.memref_slice %arg7[%add3A_485, %dma_start3A_491] : memref<80x128xi32, #tpu.memory_space<vmem>> -> memref<1x128xi32, #tpu.memory_space<vmem>>
          %dma_start3A_493 = tpu.memref_squeeze %dma_start3A_492 : memref<1x128xi32, #tpu.memory_space<vmem>> -> memref<128xi32, #tpu.memory_space<vmem>>
          %dma_start3A_494 = arith.constant 0 : i32
          %dma_start3A_495 = arith.constant 0 : i32
          %dma_start3A_496 = tpu.memref_slice %arg2[%dma_start3A_494, %dma_start3A_495] : memref<10000x32xf32, #tpu.memory_space<hbm>> -> memref<10000x32xf32, #tpu.memory_space<hbm>>
          tpu.enqueue_indirect_dma source(%dma_start3A_496 : memref<10000x32xf32, #tpu.memory_space<hbm>>) target(%dma_start3A_490 : memref<128x32xf32, #tpu.memory_space<vmem>>) offsets(%dma_start3A_493 : memref<128xi32, #tpu.memory_space<vmem>>) semaphore(%arg13 : memref<!tpu.dma_semaphore, #tpu.memory_space<semaphore_mem>>)
        } else {
        }
        %dma_wait3A_362 = arith.constant 2 : i32
        %dma_wait3A_363 = arith.constant 0 : i32
        %dma_wait3A_364 = arith.constant 0 : i32
        %dma_wait3A_365 = tpu.memref_slice %arg9[%dma_wait3A_362, %dma_wait3A_363, %dma_wait3A_364] : memref<8x128x32xf32, #tpu.memory_space<vmem>> -> memref<1x128x32xf32, #tpu.memory_space<vmem>>
        %dma_wait3A_366 = tpu.memref_squeeze %dma_wait3A_365 : memref<1x128x32xf32, #tpu.memory_space<vmem>> -> memref<128x32xf32, #tpu.memory_space<vmem>>
        %dma_wait3A_367 = arith.constant 0 : i32
        %dma_wait3A_368 = tpu.memref_slice %arg8[%add3A_180, %dma_wait3A_367] : memref<80x128xi32, #tpu.memory_space<vmem>> -> memref<1x128xi32, #tpu.memory_space<vmem>>
        %dma_wait3A_369 = tpu.memref_squeeze %dma_wait3A_368 : memref<1x128xi32, #tpu.memory_space<vmem>> -> memref<128xi32, #tpu.memory_space<vmem>>
        %dma_wait3A_370 = arith.constant 0 : i32
        %dma_wait3A_371 = arith.constant 0 : i32
        %dma_wait3A_372 = tpu.memref_slice %arg11[%dma_wait3A_370, %dma_wait3A_371] : memref<10112x32xf32, #tpu.memory_space<vmem_shared>> -> memref<10112x32xf32, #tpu.memory_space<vmem_shared>>
        tpu.wait_indirect_dma semaphore(%arg22 : memref<!tpu.dma_semaphore, #tpu.memory_space<semaphore_mem>>) src(%dma_wait3A_366 : memref<128x32xf32, #tpu.memory_space<vmem>>) dst(%dma_wait3A_372 : memref<10112x32xf32, #tpu.memory_space<vmem_shared>>)
        %add3A_373 = arith.constant 2 : i32
        %add3A_374 = arith.addi %mul3A_114, %add3A_373 : i32
        %add3A_375 = arith.constant 8 : i32
        %add3A_376 = arith.addi %add3A_374, %add3A_375 : i32
        %lt3A_377 = arith.constant 80 : i32
        %lt3A_378 = arith.cmpi slt, %add3A_376, %lt3A_377 : i32
        %convert_element_type3A_379 = arith.extui %lt3A_378 : i1 to i32
        %cond3A_380 = arith.constant 0 : i32
        %cond3A_381 = arith.cmpi ne, %convert_element_type3A_379, %cond3A_380 : i32
        scf.if %cond3A_381 {
          %add3A_482 = arith.constant 2 : i32
          %add3A_483 = arith.addi %mul3A_114, %add3A_482 : i32
          %add3A_484 = arith.constant 8 : i32
          %add3A_485 = arith.addi %add3A_483, %add3A_484 : i32
          %dma_start3A_486 = arith.constant 2 : i32
          %dma_start3A_487 = arith.constant 0 : i32
          %dma_start3A_488 = arith.constant 0 : i32
          %dma_start3A_489 = tpu.memref_slice %arg9[%dma_start3A_486, %dma_start3A_487, %dma_start3A_488] : memref<8x128x32xf32, #tpu.memory_space<vmem>> -> memref<1x128x32xf32, #tpu.memory_space<vmem>>
          %dma_start3A_490 = tpu.memref_squeeze %dma_start3A_489 : memref<1x128x32xf32, #tpu.memory_space<vmem>> -> memref<128x32xf32, #tpu.memory_space<vmem>>
          %dma_start3A_491 = arith.constant 0 : i32
          %dma_start3A_492 = tpu.memref_slice %arg7[%add3A_485, %dma_start3A_491] : memref<80x128xi32, #tpu.memory_space<vmem>> -> memref<1x128xi32, #tpu.memory_space<vmem>>
          %dma_start3A_493 = tpu.memref_squeeze %dma_start3A_492 : memref<1x128xi32, #tpu.memory_space<vmem>> -> memref<128xi32, #tpu.memory_space<vmem>>
          %dma_start3A_494 = arith.constant 0 : i32
          %dma_start3A_495 = arith.constant 0 : i32
          %dma_start3A_496 = tpu.memref_slice %arg2[%dma_start3A_494, %dma_start3A_495] : memref<10000x32xf32, #tpu.memory_space<hbm>> -> memref<10000x32xf32, #tpu.memory_space<hbm>>
          tpu.enqueue_indirect_dma source(%dma_start3A_496 : memref<10000x32xf32, #tpu.memory_space<hbm>>) target(%dma_start3A_490 : memref<128x32xf32, #tpu.memory_space<vmem>>) offsets(%dma_start3A_493 : memref<128xi32, #tpu.memory_space<vmem>>) semaphore(%arg14 : memref<!tpu.dma_semaphore, #tpu.memory_space<semaphore_mem>>)
        } else {
        }
        %dma_wait3A_382 = arith.constant 3 : i32
        %dma_wait3A_383 = arith.constant 0 : i32
        %dma_wait3A_384 = arith.constant 0 : i32
        %dma_wait3A_385 = tpu.memref_slice %arg9[%dma_wait3A_382, %dma_wait3A_383, %dma_wait3A_384] : memref<8x128x32xf32, #tpu.memory_space<vmem>> -> memref<1x128x32xf32, #tpu.memory_space<vmem>>
        %dma_wait3A_386 = tpu.memref_squeeze %dma_wait3A_385 : memref<1x128x32xf32, #tpu.memory_space<vmem>> -> memref<128x32xf32, #tpu.memory_space<vmem>>
        %dma_wait3A_387 = arith.constant 0 : i32
        %dma_wait3A_388 = tpu.memref_slice %arg8[%add3A_206, %dma_wait3A_387] : memref<80x128xi32, #tpu.memory_space<vmem>> -> memref<1x128xi32, #tpu.memory_space<vmem>>
        %dma_wait3A_389 = tpu.memref_squeeze %dma_wait3A_388 : memref<1x128xi32, #tpu.memory_space<vmem>> -> memref<128xi32, #tpu.memory_space<vmem>>
        %dma_wait3A_390 = arith.constant 0 : i32
        %dma_wait3A_391 = arith.constant 0 : i32
        %dma_wait3A_392 = tpu.memref_slice %arg11[%dma_wait3A_390, %dma_wait3A_391] : memref<10112x32xf32, #tpu.memory_space<vmem_shared>> -> memref<10112x32xf32, #tpu.memory_space<vmem_shared>>
        tpu.wait_indirect_dma semaphore(%arg23 : memref<!tpu.dma_semaphore, #tpu.memory_space<semaphore_mem>>) src(%dma_wait3A_386 : memref<128x32xf32, #tpu.memory_space<vmem>>) dst(%dma_wait3A_392 : memref<10112x32xf32, #tpu.memory_space<vmem_shared>>)
        %add3A_393 = arith.constant 3 : i32
        %add3A_394 = arith.addi %mul3A_114, %add3A_393 : i32
        %add3A_395 = arith.constant 8 : i32
        %add3A_396 = arith.addi %add3A_394, %add3A_395 : i32
        %lt3A_397 = arith.constant 80 : i32
        %lt3A_398 = arith.cmpi slt, %add3A_396, %lt3A_397 : i32
        %convert_element_type3A_399 = arith.extui %lt3A_398 : i1 to i32
        %cond3A_400 = arith.constant 0 : i32
        %cond3A_401 = arith.cmpi ne, %convert_element_type3A_399, %cond3A_400 : i32
        scf.if %cond3A_401 {
          %add3A_482 = arith.constant 3 : i32
          %add3A_483 = arith.addi %mul3A_114, %add3A_482 : i32
          %add3A_484 = arith.constant 8 : i32
          %add3A_485 = arith.addi %add3A_483, %add3A_484 : i32
          %dma_start3A_486 = arith.constant 3 : i32
          %dma_start3A_487 = arith.constant 0 : i32
          %dma_start3A_488 = arith.constant 0 : i32
          %dma_start3A_489 = tpu.memref_slice %arg9[%dma_start3A_486, %dma_start3A_487, %dma_start3A_488] : memref<8x128x32xf32, #tpu.memory_space<vmem>> -> memref<1x128x32xf32, #tpu.memory_space<vmem>>
          %dma_start3A_490 = tpu.memref_squeeze %dma_start3A_489 : memref<1x128x32xf32, #tpu.memory_space<vmem>> -> memref<128x32xf32, #tpu.memory_space<vmem>>
          %dma_start3A_491 = arith.constant 0 : i32
          %dma_start3A_492 = tpu.memref_slice %arg7[%add3A_485, %dma_start3A_491] : memref<80x128xi32, #tpu.memory_space<vmem>> -> memref<1x128xi32, #tpu.memory_space<vmem>>
          %dma_start3A_493 = tpu.memref_squeeze %dma_start3A_492 : memref<1x128xi32, #tpu.memory_space<vmem>> -> memref<128xi32, #tpu.memory_space<vmem>>
          %dma_start3A_494 = arith.constant 0 : i32
          %dma_start3A_495 = arith.constant 0 : i32
          %dma_start3A_496 = tpu.memref_slice %arg2[%dma_start3A_494, %dma_start3A_495] : memref<10000x32xf32, #tpu.memory_space<hbm>> -> memref<10000x32xf32, #tpu.memory_space<hbm>>
          tpu.enqueue_indirect_dma source(%dma_start3A_496 : memref<10000x32xf32, #tpu.memory_space<hbm>>) target(%dma_start3A_490 : memref<128x32xf32, #tpu.memory_space<vmem>>) offsets(%dma_start3A_493 : memref<128xi32, #tpu.memory_space<vmem>>) semaphore(%arg15 : memref<!tpu.dma_semaphore, #tpu.memory_space<semaphore_mem>>)
        } else {
        }
        %dma_wait3A_402 = arith.constant 4 : i32
        %dma_wait3A_403 = arith.constant 0 : i32
        %dma_wait3A_404 = arith.constant 0 : i32
        %dma_wait3A_405 = tpu.memref_slice %arg9[%dma_wait3A_402, %dma_wait3A_403, %dma_wait3A_404] : memref<8x128x32xf32, #tpu.memory_space<vmem>> -> memref<1x128x32xf32, #tpu.memory_space<vmem>>
        %dma_wait3A_406 = tpu.memref_squeeze %dma_wait3A_405 : memref<1x128x32xf32, #tpu.memory_space<vmem>> -> memref<128x32xf32, #tpu.memory_space<vmem>>
        %dma_wait3A_407 = arith.constant 0 : i32
        %dma_wait3A_408 = tpu.memref_slice %arg8[%add3A_232, %dma_wait3A_407] : memref<80x128xi32, #tpu.memory_space<vmem>> -> memref<1x128xi32, #tpu.memory_space<vmem>>
        %dma_wait3A_409 = tpu.memref_squeeze %dma_wait3A_408 : memref<1x128xi32, #tpu.memory_space<vmem>> -> memref<128xi32, #tpu.memory_space<vmem>>
        %dma_wait3A_410 = arith.constant 0 : i32
        %dma_wait3A_411 = arith.constant 0 : i32
        %dma_wait3A_412 = tpu.memref_slice %arg11[%dma_wait3A_410, %dma_wait3A_411] : memref<10112x32xf32, #tpu.memory_space<vmem_shared>> -> memref<10112x32xf32, #tpu.memory_space<vmem_shared>>
        tpu.wait_indirect_dma semaphore(%arg24 : memref<!tpu.dma_semaphore, #tpu.memory_space<semaphore_mem>>) src(%dma_wait3A_406 : memref<128x32xf32, #tpu.memory_space<vmem>>) dst(%dma_wait3A_412 : memref<10112x32xf32, #tpu.memory_space<vmem_shared>>)
        %add3A_413 = arith.constant 4 : i32
        %add3A_414 = arith.addi %mul3A_114, %add3A_413 : i32
        %add3A_415 = arith.constant 8 : i32
        %add3A_416 = arith.addi %add3A_414, %add3A_415 : i32
        %lt3A_417 = arith.constant 80 : i32
        %lt3A_418 = arith.cmpi slt, %add3A_416, %lt3A_417 : i32
        %convert_element_type3A_419 = arith.extui %lt3A_418 : i1 to i32
        %cond3A_420 = arith.constant 0 : i32
        %cond3A_421 = arith.cmpi ne, %convert_element_type3A_419, %cond3A_420 : i32
        scf.if %cond3A_421 {
          %add3A_482 = arith.constant 4 : i32
          %add3A_483 = arith.addi %mul3A_114, %add3A_482 : i32
          %add3A_484 = arith.constant 8 : i32
          %add3A_485 = arith.addi %add3A_483, %add3A_484 : i32
          %dma_start3A_486 = arith.constant 4 : i32
          %dma_start3A_487 = arith.constant 0 : i32
          %dma_start3A_488 = arith.constant 0 : i32
          %dma_start3A_489 = tpu.memref_slice %arg9[%dma_start3A_486, %dma_start3A_487, %dma_start3A_488] : memref<8x128x32xf32, #tpu.memory_space<vmem>> -> memref<1x128x32xf32, #tpu.memory_space<vmem>>
          %dma_start3A_490 = tpu.memref_squeeze %dma_start3A_489 : memref<1x128x32xf32, #tpu.memory_space<vmem>> -> memref<128x32xf32, #tpu.memory_space<vmem>>
          %dma_start3A_491 = arith.constant 0 : i32
          %dma_start3A_492 = tpu.memref_slice %arg7[%add3A_485, %dma_start3A_491] : memref<80x128xi32, #tpu.memory_space<vmem>> -> memref<1x128xi32, #tpu.memory_space<vmem>>
          %dma_start3A_493 = tpu.memref_squeeze %dma_start3A_492 : memref<1x128xi32, #tpu.memory_space<vmem>> -> memref<128xi32, #tpu.memory_space<vmem>>
          %dma_start3A_494 = arith.constant 0 : i32
          %dma_start3A_495 = arith.constant 0 : i32
          %dma_start3A_496 = tpu.memref_slice %arg2[%dma_start3A_494, %dma_start3A_495] : memref<10000x32xf32, #tpu.memory_space<hbm>> -> memref<10000x32xf32, #tpu.memory_space<hbm>>
          tpu.enqueue_indirect_dma source(%dma_start3A_496 : memref<10000x32xf32, #tpu.memory_space<hbm>>) target(%dma_start3A_490 : memref<128x32xf32, #tpu.memory_space<vmem>>) offsets(%dma_start3A_493 : memref<128xi32, #tpu.memory_space<vmem>>) semaphore(%arg16 : memref<!tpu.dma_semaphore, #tpu.memory_space<semaphore_mem>>)
        } else {
        }
        %dma_wait3A_422 = arith.constant 5 : i32
        %dma_wait3A_423 = arith.constant 0 : i32
        %dma_wait3A_424 = arith.constant 0 : i32
        %dma_wait3A_425 = tpu.memref_slice %arg9[%dma_wait3A_422, %dma_wait3A_423, %dma_wait3A_424] : memref<8x128x32xf32, #tpu.memory_space<vmem>> -> memref<1x128x32xf32, #tpu.memory_space<vmem>>
        %dma_wait3A_426 = tpu.memref_squeeze %dma_wait3A_425 : memref<1x128x32xf32, #tpu.memory_space<vmem>> -> memref<128x32xf32, #tpu.memory_space<vmem>>
        %dma_wait3A_427 = arith.constant 0 : i32
        %dma_wait3A_428 = tpu.memref_slice %arg8[%add3A_258, %dma_wait3A_427] : memref<80x128xi32, #tpu.memory_space<vmem>> -> memref<1x128xi32, #tpu.memory_space<vmem>>
        %dma_wait3A_429 = tpu.memref_squeeze %dma_wait3A_428 : memref<1x128xi32, #tpu.memory_space<vmem>> -> memref<128xi32, #tpu.memory_space<vmem>>
        %dma_wait3A_430 = arith.constant 0 : i32
        %dma_wait3A_431 = arith.constant 0 : i32
        %dma_wait3A_432 = tpu.memref_slice %arg11[%dma_wait3A_430, %dma_wait3A_431] : memref<10112x32xf32, #tpu.memory_space<vmem_shared>> -> memref<10112x32xf32, #tpu.memory_space<vmem_shared>>
        tpu.wait_indirect_dma semaphore(%arg25 : memref<!tpu.dma_semaphore, #tpu.memory_space<semaphore_mem>>) src(%dma_wait3A_426 : memref<128x32xf32, #tpu.memory_space<vmem>>) dst(%dma_wait3A_432 : memref<10112x32xf32, #tpu.memory_space<vmem_shared>>)
        %add3A_433 = arith.constant 5 : i32
        %add3A_434 = arith.addi %mul3A_114, %add3A_433 : i32
        %add3A_435 = arith.constant 8 : i32
        %add3A_436 = arith.addi %add3A_434, %add3A_435 : i32
        %lt3A_437 = arith.constant 80 : i32
        %lt3A_438 = arith.cmpi slt, %add3A_436, %lt3A_437 : i32
        %convert_element_type3A_439 = arith.extui %lt3A_438 : i1 to i32
        %cond3A_440 = arith.constant 0 : i32
        %cond3A_441 = arith.cmpi ne, %convert_element_type3A_439, %cond3A_440 : i32
        scf.if %cond3A_441 {
          %add3A_482 = arith.constant 5 : i32
          %add3A_483 = arith.addi %mul3A_114, %add3A_482 : i32
          %add3A_484 = arith.constant 8 : i32
          %add3A_485 = arith.addi %add3A_483, %add3A_484 : i32
          %dma_start3A_486 = arith.constant 5 : i32
          %dma_start3A_487 = arith.constant 0 : i32
          %dma_start3A_488 = arith.constant 0 : i32
          %dma_start3A_489 = tpu.memref_slice %arg9[%dma_start3A_486, %dma_start3A_487, %dma_start3A_488] : memref<8x128x32xf32, #tpu.memory_space<vmem>> -> memref<1x128x32xf32, #tpu.memory_space<vmem>>
          %dma_start3A_490 = tpu.memref_squeeze %dma_start3A_489 : memref<1x128x32xf32, #tpu.memory_space<vmem>> -> memref<128x32xf32, #tpu.memory_space<vmem>>
          %dma_start3A_491 = arith.constant 0 : i32
          %dma_start3A_492 = tpu.memref_slice %arg7[%add3A_485, %dma_start3A_491] : memref<80x128xi32, #tpu.memory_space<vmem>> -> memref<1x128xi32, #tpu.memory_space<vmem>>
          %dma_start3A_493 = tpu.memref_squeeze %dma_start3A_492 : memref<1x128xi32, #tpu.memory_space<vmem>> -> memref<128xi32, #tpu.memory_space<vmem>>
          %dma_start3A_494 = arith.constant 0 : i32
          %dma_start3A_495 = arith.constant 0 : i32
          %dma_start3A_496 = tpu.memref_slice %arg2[%dma_start3A_494, %dma_start3A_495] : memref<10000x32xf32, #tpu.memory_space<hbm>> -> memref<10000x32xf32, #tpu.memory_space<hbm>>
          tpu.enqueue_indirect_dma source(%dma_start3A_496 : memref<10000x32xf32, #tpu.memory_space<hbm>>) target(%dma_start3A_490 : memref<128x32xf32, #tpu.memory_space<vmem>>) offsets(%dma_start3A_493 : memref<128xi32, #tpu.memory_space<vmem>>) semaphore(%arg17 : memref<!tpu.dma_semaphore, #tpu.memory_space<semaphore_mem>>)
        } else {
        }
        %dma_wait3A_442 = arith.constant 6 : i32
        %dma_wait3A_443 = arith.constant 0 : i32
        %dma_wait3A_444 = arith.constant 0 : i32
        %dma_wait3A_445 = tpu.memref_slice %arg9[%dma_wait3A_442, %dma_wait3A_443, %dma_wait3A_444] : memref<8x128x32xf32, #tpu.memory_space<vmem>> -> memref<1x128x32xf32, #tpu.memory_space<vmem>>
        %dma_wait3A_446 = tpu.memref_squeeze %dma_wait3A_445 : memref<1x128x32xf32, #tpu.memory_space<vmem>> -> memref<128x32xf32, #tpu.memory_space<vmem>>
        %dma_wait3A_447 = arith.constant 0 : i32
        %dma_wait3A_448 = tpu.memref_slice %arg8[%add3A_284, %dma_wait3A_447] : memref<80x128xi32, #tpu.memory_space<vmem>> -> memref<1x128xi32, #tpu.memory_space<vmem>>
        %dma_wait3A_449 = tpu.memref_squeeze %dma_wait3A_448 : memref<1x128xi32, #tpu.memory_space<vmem>> -> memref<128xi32, #tpu.memory_space<vmem>>
        %dma_wait3A_450 = arith.constant 0 : i32
        %dma_wait3A_451 = arith.constant 0 : i32
        %dma_wait3A_452 = tpu.memref_slice %arg11[%dma_wait3A_450, %dma_wait3A_451] : memref<10112x32xf32, #tpu.memory_space<vmem_shared>> -> memref<10112x32xf32, #tpu.memory_space<vmem_shared>>
        tpu.wait_indirect_dma semaphore(%arg26 : memref<!tpu.dma_semaphore, #tpu.memory_space<semaphore_mem>>) src(%dma_wait3A_446 : memref<128x32xf32, #tpu.memory_space<vmem>>) dst(%dma_wait3A_452 : memref<10112x32xf32, #tpu.memory_space<vmem_shared>>)
        %add3A_453 = arith.constant 6 : i32
        %add3A_454 = arith.addi %mul3A_114, %add3A_453 : i32
        %add3A_455 = arith.constant 8 : i32
        %add3A_456 = arith.addi %add3A_454, %add3A_455 : i32
        %lt3A_457 = arith.constant 80 : i32
        %lt3A_458 = arith.cmpi slt, %add3A_456, %lt3A_457 : i32
        %convert_element_type3A_459 = arith.extui %lt3A_458 : i1 to i32
        %cond3A_460 = arith.constant 0 : i32
        %cond3A_461 = arith.cmpi ne, %convert_element_type3A_459, %cond3A_460 : i32
        scf.if %cond3A_461 {
          %add3A_482 = arith.constant 6 : i32
          %add3A_483 = arith.addi %mul3A_114, %add3A_482 : i32
          %add3A_484 = arith.constant 8 : i32
          %add3A_485 = arith.addi %add3A_483, %add3A_484 : i32
          %dma_start3A_486 = arith.constant 6 : i32
          %dma_start3A_487 = arith.constant 0 : i32
          %dma_start3A_488 = arith.constant 0 : i32
          %dma_start3A_489 = tpu.memref_slice %arg9[%dma_start3A_486, %dma_start3A_487, %dma_start3A_488] : memref<8x128x32xf32, #tpu.memory_space<vmem>> -> memref<1x128x32xf32, #tpu.memory_space<vmem>>
          %dma_start3A_490 = tpu.memref_squeeze %dma_start3A_489 : memref<1x128x32xf32, #tpu.memory_space<vmem>> -> memref<128x32xf32, #tpu.memory_space<vmem>>
          %dma_start3A_491 = arith.constant 0 : i32
          %dma_start3A_492 = tpu.memref_slice %arg7[%add3A_485, %dma_start3A_491] : memref<80x128xi32, #tpu.memory_space<vmem>> -> memref<1x128xi32, #tpu.memory_space<vmem>>
          %dma_start3A_493 = tpu.memref_squeeze %dma_start3A_492 : memref<1x128xi32, #tpu.memory_space<vmem>> -> memref<128xi32, #tpu.memory_space<vmem>>
          %dma_start3A_494 = arith.constant 0 : i32
          %dma_start3A_495 = arith.constant 0 : i32
          %dma_start3A_496 = tpu.memref_slice %arg2[%dma_start3A_494, %dma_start3A_495] : memref<10000x32xf32, #tpu.memory_space<hbm>> -> memref<10000x32xf32, #tpu.memory_space<hbm>>
          tpu.enqueue_indirect_dma source(%dma_start3A_496 : memref<10000x32xf32, #tpu.memory_space<hbm>>) target(%dma_start3A_490 : memref<128x32xf32, #tpu.memory_space<vmem>>) offsets(%dma_start3A_493 : memref<128xi32, #tpu.memory_space<vmem>>) semaphore(%arg18 : memref<!tpu.dma_semaphore, #tpu.memory_space<semaphore_mem>>)
        } else {
        }
        %dma_wait3A_462 = arith.constant 7 : i32
        %dma_wait3A_463 = arith.constant 0 : i32
        %dma_wait3A_464 = arith.constant 0 : i32
        %dma_wait3A_465 = tpu.memref_slice %arg9[%dma_wait3A_462, %dma_wait3A_463, %dma_wait3A_464] : memref<8x128x32xf32, #tpu.memory_space<vmem>> -> memref<1x128x32xf32, #tpu.memory_space<vmem>>
        %dma_wait3A_466 = tpu.memref_squeeze %dma_wait3A_465 : memref<1x128x32xf32, #tpu.memory_space<vmem>> -> memref<128x32xf32, #tpu.memory_space<vmem>>
        %dma_wait3A_467 = arith.constant 0 : i32
        %dma_wait3A_468 = tpu.memref_slice %arg8[%add3A_310, %dma_wait3A_467] : memref<80x128xi32, #tpu.memory_space<vmem>> -> memref<1x128xi32, #tpu.memory_space<vmem>>
        %dma_wait3A_469 = tpu.memref_squeeze %dma_wait3A_468 : memref<1x128xi32, #tpu.memory_space<vmem>> -> memref<128xi32, #tpu.memory_space<vmem>>
        %dma_wait3A_470 = arith.constant 0 : i32
        %dma_wait3A_471 = arith.constant 0 : i32
        %dma_wait3A_472 = tpu.memref_slice %arg11[%dma_wait3A_470, %dma_wait3A_471] : memref<10112x32xf32, #tpu.memory_space<vmem_shared>> -> memref<10112x32xf32, #tpu.memory_space<vmem_shared>>
        tpu.wait_indirect_dma semaphore(%arg27 : memref<!tpu.dma_semaphore, #tpu.memory_space<semaphore_mem>>) src(%dma_wait3A_466 : memref<128x32xf32, #tpu.memory_space<vmem>>) dst(%dma_wait3A_472 : memref<10112x32xf32, #tpu.memory_space<vmem_shared>>)
        %add3A_473 = arith.constant 7 : i32
        %add3A_474 = arith.addi %mul3A_114, %add3A_473 : i32
        %add3A_475 = arith.constant 8 : i32
        %add3A_476 = arith.addi %add3A_474, %add3A_475 : i32
        %lt3A_477 = arith.constant 80 : i32
        %lt3A_478 = arith.cmpi slt, %add3A_476, %lt3A_477 : i32
        %convert_element_type3A_479 = arith.extui %lt3A_478 : i1 to i32
        %cond3A_480 = arith.constant 0 : i32
        %cond3A_481 = arith.cmpi ne, %convert_element_type3A_479, %cond3A_480 : i32
        scf.if %cond3A_481 {
          %add3A_482 = arith.constant 7 : i32
          %add3A_483 = arith.addi %mul3A_114, %add3A_482 : i32
          %add3A_484 = arith.constant 8 : i32
          %add3A_485 = arith.addi %add3A_483, %add3A_484 : i32
          %dma_start3A_486 = arith.constant 7 : i32
          %dma_start3A_487 = arith.constant 0 : i32
          %dma_start3A_488 = arith.constant 0 : i32
          %dma_start3A_489 = tpu.memref_slice %arg9[%dma_start3A_486, %dma_start3A_487, %dma_start3A_488] : memref<8x128x32xf32, #tpu.memory_space<vmem>> -> memref<1x128x32xf32, #tpu.memory_space<vmem>>
          %dma_start3A_490 = tpu.memref_squeeze %dma_start3A_489 : memref<1x128x32xf32, #tpu.memory_space<vmem>> -> memref<128x32xf32, #tpu.memory_space<vmem>>
          %dma_start3A_491 = arith.constant 0 : i32
          %dma_start3A_492 = tpu.memref_slice %arg7[%add3A_485, %dma_start3A_491] : memref<80x128xi32, #tpu.memory_space<vmem>> -> memref<1x128xi32, #tpu.memory_space<vmem>>
          %dma_start3A_493 = tpu.memref_squeeze %dma_start3A_492 : memref<1x128xi32, #tpu.memory_space<vmem>> -> memref<128xi32, #tpu.memory_space<vmem>>
          %dma_start3A_494 = arith.constant 0 : i32
          %dma_start3A_495 = arith.constant 0 : i32
          %dma_start3A_496 = tpu.memref_slice %arg2[%dma_start3A_494, %dma_start3A_495] : memref<10000x32xf32, #tpu.memory_space<hbm>> -> memref<10000x32xf32, #tpu.memory_space<hbm>>
          tpu.enqueue_indirect_dma source(%dma_start3A_496 : memref<10000x32xf32, #tpu.memory_space<hbm>>) target(%dma_start3A_490 : memref<128x32xf32, #tpu.memory_space<vmem>>) offsets(%dma_start3A_493 : memref<128xi32, #tpu.memory_space<vmem>>) semaphore(%arg19 : memref<!tpu.dma_semaphore, #tpu.memory_space<semaphore_mem>>)
        } else {
        }
      }
      %scan3A_111 = arith.constant 10 : i32
    } else {
    }
    %ge3A = arith.constant 5 : i32
    %ge3A_7 = arith.cmpi sge, %arg1, %ge3A : i32
    %convert_element_type3A_8 = arith.extui %ge3A_7 : i1 to i32
    %cond3A_9 = arith.constant 0 : i32
    %cond3A_10 = arith.cmpi ne, %convert_element_type3A_8, %cond3A_9 : i32
    scf.if %cond3A_10 {
      %dma_start3A = arith.constant 0 : i32
      %dma_start3A_12 = arith.constant 0 : i32
      %dma_start3A_13 = arith.constant 0 : i32
      %dma_start3A_14 = arith.constant 0 : i32
      %dma_start3A_15 = tpu.memref_slice %arg9[%dma_start3A_12, %dma_start3A_13, %dma_start3A_14] : memref<8x128x32xf32, #tpu.memory_space<vmem>> -> memref<1x128x32xf32, #tpu.memory_space<vmem>>
      %dma_start3A_16 = tpu.memref_squeeze %dma_start3A_15 : memref<1x128x32xf32, #tpu.memory_space<vmem>> -> memref<128x32xf32, #tpu.memory_space<vmem>>
      %dma_start3A_17 = arith.constant 0 : i32
      %dma_start3A_18 = tpu.memref_slice %arg7[%dma_start3A, %dma_start3A_17] : memref<80x128xi32, #tpu.memory_space<vmem>> -> memref<1x128xi32, #tpu.memory_space<vmem>>
      %dma_start3A_19 = tpu.memref_squeeze %dma_start3A_18 : memref<1x128xi32, #tpu.memory_space<vmem>> -> memref<128xi32, #tpu.memory_space<vmem>>
      %dma_start3A_20 = arith.constant 0 : i32
      %dma_start3A_21 = arith.constant 0 : i32
      %dma_start3A_22 = tpu.memref_slice %arg10[%dma_start3A_20, %dma_start3A_21] : memref<10000x32xf32, #tpu.memory_space<vmem_shared>> -> memref<10000x32xf32, #tpu.memory_space<vmem_shared>>
      tpu.enqueue_indirect_dma source(%dma_start3A_22 : memref<10000x32xf32, #tpu.memory_space<vmem_shared>>) target(%dma_start3A_16 : memref<128x32xf32, #tpu.memory_space<vmem>>) offsets(%dma_start3A_19 : memref<128xi32, #tpu.memory_space<vmem>>) semaphore(%arg12 : memref<!tpu.dma_semaphore, #tpu.memory_space<semaphore_mem>>)
      %dma_start3A_23 = arith.constant 1 : i32
      %dma_start3A_24 = arith.constant 1 : i32
      %dma_start3A_25 = arith.constant 0 : i32
      %dma_start3A_26 = arith.constant 0 : i32
      %dma_start3A_27 = tpu.memref_slice %arg9[%dma_start3A_24, %dma_start3A_25, %dma_start3A_26] : memref<8x128x32xf32, #tpu.memory_space<vmem>> -> memref<1x128x32xf32, #tpu.memory_space<vmem>>
      %dma_start3A_28 = tpu.memref_squeeze %dma_start3A_27 : memref<1x128x32xf32, #tpu.memory_space<vmem>> -> memref<128x32xf32, #tpu.memory_space<vmem>>
      %dma_start3A_29 = arith.constant 0 : i32
      %dma_start3A_30 = tpu.memref_slice %arg7[%dma_start3A_23, %dma_start3A_29] : memref<80x128xi32, #tpu.memory_space<vmem>> -> memref<1x128xi32, #tpu.memory_space<vmem>>
      %dma_start3A_31 = tpu.memref_squeeze %dma_start3A_30 : memref<1x128xi32, #tpu.memory_space<vmem>> -> memref<128xi32, #tpu.memory_space<vmem>>
      %dma_start3A_32 = arith.constant 0 : i32
      %dma_start3A_33 = arith.constant 0 : i32
      %dma_start3A_34 = tpu.memref_slice %arg10[%dma_start3A_32, %dma_start3A_33] : memref<10000x32xf32, #tpu.memory_space<vmem_shared>> -> memref<10000x32xf32, #tpu.memory_space<vmem_shared>>
      tpu.enqueue_indirect_dma source(%dma_start3A_34 : memref<10000x32xf32, #tpu.memory_space<vmem_shared>>) target(%dma_start3A_28 : memref<128x32xf32, #tpu.memory_space<vmem>>) offsets(%dma_start3A_31 : memref<128xi32, #tpu.memory_space<vmem>>) semaphore(%arg13 : memref<!tpu.dma_semaphore, #tpu.memory_space<semaphore_mem>>)
      %dma_start3A_35 = arith.constant 2 : i32
      %dma_start3A_36 = arith.constant 2 : i32
      %dma_start3A_37 = arith.constant 0 : i32
      %dma_start3A_38 = arith.constant 0 : i32
      %dma_start3A_39 = tpu.memref_slice %arg9[%dma_start3A_36, %dma_start3A_37, %dma_start3A_38] : memref<8x128x32xf32, #tpu.memory_space<vmem>> -> memref<1x128x32xf32, #tpu.memory_space<vmem>>
      %dma_start3A_40 = tpu.memref_squeeze %dma_start3A_39 : memref<1x128x32xf32, #tpu.memory_space<vmem>> -> memref<128x32xf32, #tpu.memory_space<vmem>>
      %dma_start3A_41 = arith.constant 0 : i32
      %dma_start3A_42 = tpu.memref_slice %arg7[%dma_start3A_35, %dma_start3A_41] : memref<80x128xi32, #tpu.memory_space<vmem>> -> memref<1x128xi32, #tpu.memory_space<vmem>>
      %dma_start3A_43 = tpu.memref_squeeze %dma_start3A_42 : memref<1x128xi32, #tpu.memory_space<vmem>> -> memref<128xi32, #tpu.memory_space<vmem>>
      %dma_start3A_44 = arith.constant 0 : i32
      %dma_start3A_45 = arith.constant 0 : i32
      %dma_start3A_46 = tpu.memref_slice %arg10[%dma_start3A_44, %dma_start3A_45] : memref<10000x32xf32, #tpu.memory_space<vmem_shared>> -> memref<10000x32xf32, #tpu.memory_space<vmem_shared>>
      tpu.enqueue_indirect_dma source(%dma_start3A_46 : memref<10000x32xf32, #tpu.memory_space<vmem_shared>>) target(%dma_start3A_40 : memref<128x32xf32, #tpu.memory_space<vmem>>) offsets(%dma_start3A_43 : memref<128xi32, #tpu.memory_space<vmem>>) semaphore(%arg14 : memref<!tpu.dma_semaphore, #tpu.memory_space<semaphore_mem>>)
      %dma_start3A_47 = arith.constant 3 : i32
      %dma_start3A_48 = arith.constant 3 : i32
      %dma_start3A_49 = arith.constant 0 : i32
      %dma_start3A_50 = arith.constant 0 : i32
      %dma_start3A_51 = tpu.memref_slice %arg9[%dma_start3A_48, %dma_start3A_49, %dma_start3A_50] : memref<8x128x32xf32, #tpu.memory_space<vmem>> -> memref<1x128x32xf32, #tpu.memory_space<vmem>>
      %dma_start3A_52 = tpu.memref_squeeze %dma_start3A_51 : memref<1x128x32xf32, #tpu.memory_space<vmem>> -> memref<128x32xf32, #tpu.memory_space<vmem>>
      %dma_start3A_53 = arith.constant 0 : i32
      %dma_start3A_54 = tpu.memref_slice %arg7[%dma_start3A_47, %dma_start3A_53] : memref<80x128xi32, #tpu.memory_space<vmem>> -> memref<1x128xi32, #tpu.memory_space<vmem>>
      %dma_start3A_55 = tpu.memref_squeeze %dma_start3A_54 : memref<1x128xi32, #tpu.memory_space<vmem>> -> memref<128xi32, #tpu.memory_space<vmem>>
      %dma_start3A_56 = arith.constant 0 : i32
      %dma_start3A_57 = arith.constant 0 : i32
      %dma_start3A_58 = tpu.memref_slice %arg10[%dma_start3A_56, %dma_start3A_57] : memref<10000x32xf32, #tpu.memory_space<vmem_shared>> -> memref<10000x32xf32, #tpu.memory_space<vmem_shared>>
      tpu.enqueue_indirect_dma source(%dma_start3A_58 : memref<10000x32xf32, #tpu.memory_space<vmem_shared>>) target(%dma_start3A_52 : memref<128x32xf32, #tpu.memory_space<vmem>>) offsets(%dma_start3A_55 : memref<128xi32, #tpu.memory_space<vmem>>) semaphore(%arg15 : memref<!tpu.dma_semaphore, #tpu.memory_space<semaphore_mem>>)
      %dma_start3A_59 = arith.constant 4 : i32
      %dma_start3A_60 = arith.constant 4 : i32
      %dma_start3A_61 = arith.constant 0 : i32
      %dma_start3A_62 = arith.constant 0 : i32
      %dma_start3A_63 = tpu.memref_slice %arg9[%dma_start3A_60, %dma_start3A_61, %dma_start3A_62] : memref<8x128x32xf32, #tpu.memory_space<vmem>> -> memref<1x128x32xf32, #tpu.memory_space<vmem>>
      %dma_start3A_64 = tpu.memref_squeeze %dma_start3A_63 : memref<1x128x32xf32, #tpu.memory_space<vmem>> -> memref<128x32xf32, #tpu.memory_space<vmem>>
      %dma_start3A_65 = arith.constant 0 : i32
      %dma_start3A_66 = tpu.memref_slice %arg7[%dma_start3A_59, %dma_start3A_65] : memref<80x128xi32, #tpu.memory_space<vmem>> -> memref<1x128xi32, #tpu.memory_space<vmem>>
      %dma_start3A_67 = tpu.memref_squeeze %dma_start3A_66 : memref<1x128xi32, #tpu.memory_space<vmem>> -> memref<128xi32, #tpu.memory_space<vmem>>
      %dma_start3A_68 = arith.constant 0 : i32
      %dma_start3A_69 = arith.constant 0 : i32
      %dma_start3A_70 = tpu.memref_slice %arg10[%dma_start3A_68, %dma_start3A_69] : memref<10000x32xf32, #tpu.memory_space<vmem_shared>> -> memref<10000x32xf32, #tpu.memory_space<vmem_shared>>
      tpu.enqueue_indirect_dma source(%dma_start3A_70 : memref<10000x32xf32, #tpu.memory_space<vmem_shared>>) target(%dma_start3A_64 : memref<128x32xf32, #tpu.memory_space<vmem>>) offsets(%dma_start3A_67 : memref<128xi32, #tpu.memory_space<vmem>>) semaphore(%arg16 : memref<!tpu.dma_semaphore, #tpu.memory_space<semaphore_mem>>)
      %dma_start3A_71 = arith.constant 5 : i32
      %dma_start3A_72 = arith.constant 5 : i32
      %dma_start3A_73 = arith.constant 0 : i32
      %dma_start3A_74 = arith.constant 0 : i32
      %dma_start3A_75 = tpu.memref_slice %arg9[%dma_start3A_72, %dma_start3A_73, %dma_start3A_74] : memref<8x128x32xf32, #tpu.memory_space<vmem>> -> memref<1x128x32xf32, #tpu.memory_space<vmem>>
      %dma_start3A_76 = tpu.memref_squeeze %dma_start3A_75 : memref<1x128x32xf32, #tpu.memory_space<vmem>> -> memref<128x32xf32, #tpu.memory_space<vmem>>
      %dma_start3A_77 = arith.constant 0 : i32
      %dma_start3A_78 = tpu.memref_slice %arg7[%dma_start3A_71, %dma_start3A_77] : memref<80x128xi32, #tpu.memory_space<vmem>> -> memref<1x128xi32, #tpu.memory_space<vmem>>
      %dma_start3A_79 = tpu.memref_squeeze %dma_start3A_78 : memref<1x128xi32, #tpu.memory_space<vmem>> -> memref<128xi32, #tpu.memory_space<vmem>>
      %dma_start3A_80 = arith.constant 0 : i32
      %dma_start3A_81 = arith.constant 0 : i32
      %dma_start3A_82 = tpu.memref_slice %arg10[%dma_start3A_80, %dma_start3A_81] : memref<10000x32xf32, #tpu.memory_space<vmem_shared>> -> memref<10000x32xf32, #tpu.memory_space<vmem_shared>>
      tpu.enqueue_indirect_dma source(%dma_start3A_82 : memref<10000x32xf32, #tpu.memory_space<vmem_shared>>) target(%dma_start3A_76 : memref<128x32xf32, #tpu.memory_space<vmem>>) offsets(%dma_start3A_79 : memref<128xi32, #tpu.memory_space<vmem>>) semaphore(%arg17 : memref<!tpu.dma_semaphore, #tpu.memory_space<semaphore_mem>>)
      %dma_start3A_83 = arith.constant 6 : i32
      %dma_start3A_84 = arith.constant 6 : i32
      %dma_start3A_85 = arith.constant 0 : i32
      %dma_start3A_86 = arith.constant 0 : i32
      %dma_start3A_87 = tpu.memref_slice %arg9[%dma_start3A_84, %dma_start3A_85, %dma_start3A_86] : memref<8x128x32xf32, #tpu.memory_space<vmem>> -> memref<1x128x32xf32, #tpu.memory_space<vmem>>
      %dma_start3A_88 = tpu.memref_squeeze %dma_start3A_87 : memref<1x128x32xf32, #tpu.memory_space<vmem>> -> memref<128x32xf32, #tpu.memory_space<vmem>>
      %dma_start3A_89 = arith.constant 0 : i32
      %dma_start3A_90 = tpu.memref_slice %arg7[%dma_start3A_83, %dma_start3A_89] : memref<80x128xi32, #tpu.memory_space<vmem>> -> memref<1x128xi32, #tpu.memory_space<vmem>>
      %dma_start3A_91 = tpu.memref_squeeze %dma_start3A_90 : memref<1x128xi32, #tpu.memory_space<vmem>> -> memref<128xi32, #tpu.memory_space<vmem>>
      %dma_start3A_92 = arith.constant 0 : i32
      %dma_start3A_93 = arith.constant 0 : i32
      %dma_start3A_94 = tpu.memref_slice %arg10[%dma_start3A_92, %dma_start3A_93] : memref<10000x32xf32, #tpu.memory_space<vmem_shared>> -> memref<10000x32xf32, #tpu.memory_space<vmem_shared>>
      tpu.enqueue_indirect_dma source(%dma_start3A_94 : memref<10000x32xf32, #tpu.memory_space<vmem_shared>>) target(%dma_start3A_88 : memref<128x32xf32, #tpu.memory_space<vmem>>) offsets(%dma_start3A_91 : memref<128xi32, #tpu.memory_space<vmem>>) semaphore(%arg18 : memref<!tpu.dma_semaphore, #tpu.memory_space<semaphore_mem>>)
      %dma_start3A_95 = arith.constant 7 : i32
      %dma_start3A_96 = arith.constant 7 : i32
      %dma_start3A_97 = arith.constant 0 : i32
      %dma_start3A_98 = arith.constant 0 : i32
      %dma_start3A_99 = tpu.memref_slice %arg9[%dma_start3A_96, %dma_start3A_97, %dma_start3A_98] : memref<8x128x32xf32, #tpu.memory_space<vmem>> -> memref<1x128x32xf32, #tpu.memory_space<vmem>>
      %dma_start3A_100 = tpu.memref_squeeze %dma_start3A_99 : memref<1x128x32xf32, #tpu.memory_space<vmem>> -> memref<128x32xf32, #tpu.memory_space<vmem>>
      %dma_start3A_101 = arith.constant 0 : i32
      %dma_start3A_102 = tpu.memref_slice %arg7[%dma_start3A_95, %dma_start3A_101] : memref<80x128xi32, #tpu.memory_space<vmem>> -> memref<1x128xi32, #tpu.memory_space<vmem>>
      %dma_start3A_103 = tpu.memref_squeeze %dma_start3A_102 : memref<1x128xi32, #tpu.memory_space<vmem>> -> memref<128xi32, #tpu.memory_space<vmem>>
      %dma_start3A_104 = arith.constant 0 : i32
      %dma_start3A_105 = arith.constant 0 : i32
      %dma_start3A_106 = tpu.memref_slice %arg10[%dma_start3A_104, %dma_start3A_105] : memref<10000x32xf32, #tpu.memory_space<vmem_shared>> -> memref<10000x32xf32, #tpu.memory_space<vmem_shared>>
      tpu.enqueue_indirect_dma source(%dma_start3A_106 : memref<10000x32xf32, #tpu.memory_space<vmem_shared>>) target(%dma_start3A_100 : memref<128x32xf32, #tpu.memory_space<vmem>>) offsets(%dma_start3A_103 : memref<128xi32, #tpu.memory_space<vmem>>) semaphore(%arg19 : memref<!tpu.dma_semaphore, #tpu.memory_space<semaphore_mem>>)
      %scan3A = arith.constant 0 : i32
      %scan3A_107 = arith.constant 0 : i32
      %scan3A_108 = arith.constant 10 : i32
      %scan3A_109 = arith.addi %scan3A_107, %scan3A_108 : i32
      %scan3A_110 = arith.constant 1 : i32
      scf.for %scan3A_112 = %scan3A_107 to %scan3A_109 step %scan3A_110  : i32 {
        %mul3A_113 = arith.constant 8 : i32
        %mul3A_114 = arith.muli %scan3A_112, %mul3A_113 : i32
        %add3A_115 = arith.constant 0 : i32
        %add3A_116 = arith.addi %mul3A_114, %add3A_115 : i32
        %dma_wait3A = arith.constant 0 : i32
        %dma_wait3A_117 = arith.constant 0 : i32
        %dma_wait3A_118 = arith.constant 0 : i32
        %dma_wait3A_119 = tpu.memref_slice %arg9[%dma_wait3A, %dma_wait3A_117, %dma_wait3A_118] : memref<8x128x32xf32, #tpu.memory_space<vmem>> -> memref<1x128x32xf32, #tpu.memory_space<vmem>>
        %dma_wait3A_120 = tpu.memref_squeeze %dma_wait3A_119 : memref<1x128x32xf32, #tpu.memory_space<vmem>> -> memref<128x32xf32, #tpu.memory_space<vmem>>
        %dma_wait3A_121 = arith.constant 0 : i32
        %dma_wait3A_122 = tpu.memref_slice %arg7[%add3A_116, %dma_wait3A_121] : memref<80x128xi32, #tpu.memory_space<vmem>> -> memref<1x128xi32, #tpu.memory_space<vmem>>
        %dma_wait3A_123 = tpu.memref_squeeze %dma_wait3A_122 : memref<1x128xi32, #tpu.memory_space<vmem>> -> memref<128xi32, #tpu.memory_space<vmem>>
        %dma_wait3A_124 = arith.constant 0 : i32
        %dma_wait3A_125 = arith.constant 0 : i32
        %dma_wait3A_126 = tpu.memref_slice %arg10[%dma_wait3A_124, %dma_wait3A_125] : memref<10000x32xf32, #tpu.memory_space<vmem_shared>> -> memref<10000x32xf32, #tpu.memory_space<vmem_shared>>
        tpu.wait_indirect_dma semaphore(%arg12 : memref<!tpu.dma_semaphore, #tpu.memory_space<semaphore_mem>>) src(%dma_wait3A_126 : memref<10000x32xf32, #tpu.memory_space<vmem_shared>>) dst(%dma_wait3A_120 : memref<128x32xf32, #tpu.memory_space<vmem>>)
        %add3A_127 = arith.constant 0 : i32
        %add3A_128 = arith.addi %mul3A_114, %add3A_127 : i32
        %dma_start3A_129 = arith.constant 0 : i32
        %dma_start3A_130 = arith.constant 0 : i32
        %dma_start3A_131 = arith.constant 0 : i32
        %dma_start3A_132 = tpu.memref_slice %arg9[%dma_start3A_129, %dma_start3A_130, %dma_start3A_131] : memref<8x128x32xf32, #tpu.memory_space<vmem>> -> memref<1x128x32xf32, #tpu.memory_space<vmem>>
        %dma_start3A_133 = tpu.memref_squeeze %dma_start3A_132 : memref<1x128x32xf32, #tpu.memory_space<vmem>> -> memref<128x32xf32, #tpu.memory_space<vmem>>
        %dma_start3A_134 = arith.constant 0 : i32
        %dma_start3A_135 = tpu.memref_slice %arg8[%add3A_128, %dma_start3A_134] : memref<80x128xi32, #tpu.memory_space<vmem>> -> memref<1x128xi32, #tpu.memory_space<vmem>>
        %dma_start3A_136 = tpu.memref_squeeze %dma_start3A_135 : memref<1x128xi32, #tpu.memory_space<vmem>> -> memref<128xi32, #tpu.memory_space<vmem>>
        %dma_start3A_137 = arith.constant 0 : i32
        %dma_start3A_138 = arith.constant 0 : i32
        %dma_start3A_139 = tpu.memref_slice %arg11[%dma_start3A_137, %dma_start3A_138] : memref<10112x32xf32, #tpu.memory_space<vmem_shared>> -> memref<10112x32xf32, #tpu.memory_space<vmem_shared>>
        tpu.enqueue_indirect_dma source(%dma_start3A_133 : memref<128x32xf32, #tpu.memory_space<vmem>>) target(%dma_start3A_139 : memref<10112x32xf32, #tpu.memory_space<vmem_shared>>) offsets(%dma_start3A_136 : memref<128xi32, #tpu.memory_space<vmem>>) semaphore(%arg20 : memref<!tpu.dma_semaphore, #tpu.memory_space<semaphore_mem>>) {add = true}
        %add3A_140 = arith.constant 1 : i32
        %add3A_141 = arith.addi %mul3A_114, %add3A_140 : i32
        %dma_wait3A_142 = arith.constant 1 : i32
        %dma_wait3A_143 = arith.constant 0 : i32
        %dma_wait3A_144 = arith.constant 0 : i32
        %dma_wait3A_145 = tpu.memref_slice %arg9[%dma_wait3A_142, %dma_wait3A_143, %dma_wait3A_144] : memref<8x128x32xf32, #tpu.memory_space<vmem>> -> memref<1x128x32xf32, #tpu.memory_space<vmem>>
        %dma_wait3A_146 = tpu.memref_squeeze %dma_wait3A_145 : memref<1x128x32xf32, #tpu.memory_space<vmem>> -> memref<128x32xf32, #tpu.memory_space<vmem>>
        %dma_wait3A_147 = arith.constant 0 : i32
        %dma_wait3A_148 = tpu.memref_slice %arg7[%add3A_141, %dma_wait3A_147] : memref<80x128xi32, #tpu.memory_space<vmem>> -> memref<1x128xi32, #tpu.memory_space<vmem>>
        %dma_wait3A_149 = tpu.memref_squeeze %dma_wait3A_148 : memref<1x128xi32, #tpu.memory_space<vmem>> -> memref<128xi32, #tpu.memory_space<vmem>>
        %dma_wait3A_150 = arith.constant 0 : i32
        %dma_wait3A_151 = arith.constant 0 : i32
        %dma_wait3A_152 = tpu.memref_slice %arg10[%dma_wait3A_150, %dma_wait3A_151] : memref<10000x32xf32, #tpu.memory_space<vmem_shared>> -> memref<10000x32xf32, #tpu.memory_space<vmem_shared>>
        tpu.wait_indirect_dma semaphore(%arg13 : memref<!tpu.dma_semaphore, #tpu.memory_space<semaphore_mem>>) src(%dma_wait3A_152 : memref<10000x32xf32, #tpu.memory_space<vmem_shared>>) dst(%dma_wait3A_146 : memref<128x32xf32, #tpu.memory_space<vmem>>)
        %add3A_153 = arith.constant 1 : i32
        %add3A_154 = arith.addi %mul3A_114, %add3A_153 : i32
        %dma_start3A_155 = arith.constant 1 : i32
        %dma_start3A_156 = arith.constant 0 : i32
        %dma_start3A_157 = arith.constant 0 : i32
        %dma_start3A_158 = tpu.memref_slice %arg9[%dma_start3A_155, %dma_start3A_156, %dma_start3A_157] : memref<8x128x32xf32, #tpu.memory_space<vmem>> -> memref<1x128x32xf32, #tpu.memory_space<vmem>>
        %dma_start3A_159 = tpu.memref_squeeze %dma_start3A_158 : memref<1x128x32xf32, #tpu.memory_space<vmem>> -> memref<128x32xf32, #tpu.memory_space<vmem>>
        %dma_start3A_160 = arith.constant 0 : i32
        %dma_start3A_161 = tpu.memref_slice %arg8[%add3A_154, %dma_start3A_160] : memref<80x128xi32, #tpu.memory_space<vmem>> -> memref<1x128xi32, #tpu.memory_space<vmem>>
        %dma_start3A_162 = tpu.memref_squeeze %dma_start3A_161 : memref<1x128xi32, #tpu.memory_space<vmem>> -> memref<128xi32, #tpu.memory_space<vmem>>
        %dma_start3A_163 = arith.constant 0 : i32
        %dma_start3A_164 = arith.constant 0 : i32
        %dma_start3A_165 = tpu.memref_slice %arg11[%dma_start3A_163, %dma_start3A_164] : memref<10112x32xf32, #tpu.memory_space<vmem_shared>> -> memref<10112x32xf32, #tpu.memory_space<vmem_shared>>
        tpu.enqueue_indirect_dma source(%dma_start3A_159 : memref<128x32xf32, #tpu.memory_space<vmem>>) target(%dma_start3A_165 : memref<10112x32xf32, #tpu.memory_space<vmem_shared>>) offsets(%dma_start3A_162 : memref<128xi32, #tpu.memory_space<vmem>>) semaphore(%arg21 : memref<!tpu.dma_semaphore, #tpu.memory_space<semaphore_mem>>) {add = true}
        %add3A_166 = arith.constant 2 : i32
        %add3A_167 = arith.addi %mul3A_114, %add3A_166 : i32
        %dma_wait3A_168 = arith.constant 2 : i32
        %dma_wait3A_169 = arith.constant 0 : i32
        %dma_wait3A_170 = arith.constant 0 : i32
        %dma_wait3A_171 = tpu.memref_slice %arg9[%dma_wait3A_168, %dma_wait3A_169, %dma_wait3A_170] : memref<8x128x32xf32, #tpu.memory_space<vmem>> -> memref<1x128x32xf32, #tpu.memory_space<vmem>>
        %dma_wait3A_172 = tpu.memref_squeeze %dma_wait3A_171 : memref<1x128x32xf32, #tpu.memory_space<vmem>> -> memref<128x32xf32, #tpu.memory_space<vmem>>
        %dma_wait3A_173 = arith.constant 0 : i32
        %dma_wait3A_174 = tpu.memref_slice %arg7[%add3A_167, %dma_wait3A_173] : memref<80x128xi32, #tpu.memory_space<vmem>> -> memref<1x128xi32, #tpu.memory_space<vmem>>
        %dma_wait3A_175 = tpu.memref_squeeze %dma_wait3A_174 : memref<1x128xi32, #tpu.memory_space<vmem>> -> memref<128xi32, #tpu.memory_space<vmem>>
        %dma_wait3A_176 = arith.constant 0 : i32
        %dma_wait3A_177 = arith.constant 0 : i32
        %dma_wait3A_178 = tpu.memref_slice %arg10[%dma_wait3A_176, %dma_wait3A_177] : memref<10000x32xf32, #tpu.memory_space<vmem_shared>> -> memref<10000x32xf32, #tpu.memory_space<vmem_shared>>
        tpu.wait_indirect_dma semaphore(%arg14 : memref<!tpu.dma_semaphore, #tpu.memory_space<semaphore_mem>>) src(%dma_wait3A_178 : memref<10000x32xf32, #tpu.memory_space<vmem_shared>>) dst(%dma_wait3A_172 : memref<128x32xf32, #tpu.memory_space<vmem>>)
        %add3A_179 = arith.constant 2 : i32
        %add3A_180 = arith.addi %mul3A_114, %add3A_179 : i32
        %dma_start3A_181 = arith.constant 2 : i32
        %dma_start3A_182 = arith.constant 0 : i32
        %dma_start3A_183 = arith.constant 0 : i32
        %dma_start3A_184 = tpu.memref_slice %arg9[%dma_start3A_181, %dma_start3A_182, %dma_start3A_183] : memref<8x128x32xf32, #tpu.memory_space<vmem>> -> memref<1x128x32xf32, #tpu.memory_space<vmem>>
        %dma_start3A_185 = tpu.memref_squeeze %dma_start3A_184 : memref<1x128x32xf32, #tpu.memory_space<vmem>> -> memref<128x32xf32, #tpu.memory_space<vmem>>
        %dma_start3A_186 = arith.constant 0 : i32
        %dma_start3A_187 = tpu.memref_slice %arg8[%add3A_180, %dma_start3A_186] : memref<80x128xi32, #tpu.memory_space<vmem>> -> memref<1x128xi32, #tpu.memory_space<vmem>>
        %dma_start3A_188 = tpu.memref_squeeze %dma_start3A_187 : memref<1x128xi32, #tpu.memory_space<vmem>> -> memref<128xi32, #tpu.memory_space<vmem>>
        %dma_start3A_189 = arith.constant 0 : i32
        %dma_start3A_190 = arith.constant 0 : i32
        %dma_start3A_191 = tpu.memref_slice %arg11[%dma_start3A_189, %dma_start3A_190] : memref<10112x32xf32, #tpu.memory_space<vmem_shared>> -> memref<10112x32xf32, #tpu.memory_space<vmem_shared>>
        tpu.enqueue_indirect_dma source(%dma_start3A_185 : memref<128x32xf32, #tpu.memory_space<vmem>>) target(%dma_start3A_191 : memref<10112x32xf32, #tpu.memory_space<vmem_shared>>) offsets(%dma_start3A_188 : memref<128xi32, #tpu.memory_space<vmem>>) semaphore(%arg22 : memref<!tpu.dma_semaphore, #tpu.memory_space<semaphore_mem>>) {add = true}
        %add3A_192 = arith.constant 3 : i32
        %add3A_193 = arith.addi %mul3A_114, %add3A_192 : i32
        %dma_wait3A_194 = arith.constant 3 : i32
        %dma_wait3A_195 = arith.constant 0 : i32
        %dma_wait3A_196 = arith.constant 0 : i32
        %dma_wait3A_197 = tpu.memref_slice %arg9[%dma_wait3A_194, %dma_wait3A_195, %dma_wait3A_196] : memref<8x128x32xf32, #tpu.memory_space<vmem>> -> memref<1x128x32xf32, #tpu.memory_space<vmem>>
        %dma_wait3A_198 = tpu.memref_squeeze %dma_wait3A_197 : memref<1x128x32xf32, #tpu.memory_space<vmem>> -> memref<128x32xf32, #tpu.memory_space<vmem>>
        %dma_wait3A_199 = arith.constant 0 : i32
        %dma_wait3A_200 = tpu.memref_slice %arg7[%add3A_193, %dma_wait3A_199] : memref<80x128xi32, #tpu.memory_space<vmem>> -> memref<1x128xi32, #tpu.memory_space<vmem>>
        %dma_wait3A_201 = tpu.memref_squeeze %dma_wait3A_200 : memref<1x128xi32, #tpu.memory_space<vmem>> -> memref<128xi32, #tpu.memory_space<vmem>>
        %dma_wait3A_202 = arith.constant 0 : i32
        %dma_wait3A_203 = arith.constant 0 : i32
        %dma_wait3A_204 = tpu.memref_slice %arg10[%dma_wait3A_202, %dma_wait3A_203] : memref<10000x32xf32, #tpu.memory_space<vmem_shared>> -> memref<10000x32xf32, #tpu.memory_space<vmem_shared>>
        tpu.wait_indirect_dma semaphore(%arg15 : memref<!tpu.dma_semaphore, #tpu.memory_space<semaphore_mem>>) src(%dma_wait3A_204 : memref<10000x32xf32, #tpu.memory_space<vmem_shared>>) dst(%dma_wait3A_198 : memref<128x32xf32, #tpu.memory_space<vmem>>)
        %add3A_205 = arith.constant 3 : i32
        %add3A_206 = arith.addi %mul3A_114, %add3A_205 : i32
        %dma_start3A_207 = arith.constant 3 : i32
        %dma_start3A_208 = arith.constant 0 : i32
        %dma_start3A_209 = arith.constant 0 : i32
        %dma_start3A_210 = tpu.memref_slice %arg9[%dma_start3A_207, %dma_start3A_208, %dma_start3A_209] : memref<8x128x32xf32, #tpu.memory_space<vmem>> -> memref<1x128x32xf32, #tpu.memory_space<vmem>>
        %dma_start3A_211 = tpu.memref_squeeze %dma_start3A_210 : memref<1x128x32xf32, #tpu.memory_space<vmem>> -> memref<128x32xf32, #tpu.memory_space<vmem>>
        %dma_start3A_212 = arith.constant 0 : i32
        %dma_start3A_213 = tpu.memref_slice %arg8[%add3A_206, %dma_start3A_212] : memref<80x128xi32, #tpu.memory_space<vmem>> -> memref<1x128xi32, #tpu.memory_space<vmem>>
        %dma_start3A_214 = tpu.memref_squeeze %dma_start3A_213 : memref<1x128xi32, #tpu.memory_space<vmem>> -> memref<128xi32, #tpu.memory_space<vmem>>
        %dma_start3A_215 = arith.constant 0 : i32
        %dma_start3A_216 = arith.constant 0 : i32
        %dma_start3A_217 = tpu.memref_slice %arg11[%dma_start3A_215, %dma_start3A_216] : memref<10112x32xf32, #tpu.memory_space<vmem_shared>> -> memref<10112x32xf32, #tpu.memory_space<vmem_shared>>
        tpu.enqueue_indirect_dma source(%dma_start3A_211 : memref<128x32xf32, #tpu.memory_space<vmem>>) target(%dma_start3A_217 : memref<10112x32xf32, #tpu.memory_space<vmem_shared>>) offsets(%dma_start3A_214 : memref<128xi32, #tpu.memory_space<vmem>>) semaphore(%arg23 : memref<!tpu.dma_semaphore, #tpu.memory_space<semaphore_mem>>) {add = true}
        %add3A_218 = arith.constant 4 : i32
        %add3A_219 = arith.addi %mul3A_114, %add3A_218 : i32
        %dma_wait3A_220 = arith.constant 4 : i32
        %dma_wait3A_221 = arith.constant 0 : i32
        %dma_wait3A_222 = arith.constant 0 : i32
        %dma_wait3A_223 = tpu.memref_slice %arg9[%dma_wait3A_220, %dma_wait3A_221, %dma_wait3A_222] : memref<8x128x32xf32, #tpu.memory_space<vmem>> -> memref<1x128x32xf32, #tpu.memory_space<vmem>>
        %dma_wait3A_224 = tpu.memref_squeeze %dma_wait3A_223 : memref<1x128x32xf32, #tpu.memory_space<vmem>> -> memref<128x32xf32, #tpu.memory_space<vmem>>
        %dma_wait3A_225 = arith.constant 0 : i32
        %dma_wait3A_226 = tpu.memref_slice %arg7[%add3A_219, %dma_wait3A_225] : memref<80x128xi32, #tpu.memory_space<vmem>> -> memref<1x128xi32, #tpu.memory_space<vmem>>
        %dma_wait3A_227 = tpu.memref_squeeze %dma_wait3A_226 : memref<1x128xi32, #tpu.memory_space<vmem>> -> memref<128xi32, #tpu.memory_space<vmem>>
        %dma_wait3A_228 = arith.constant 0 : i32
        %dma_wait3A_229 = arith.constant 0 : i32
        %dma_wait3A_230 = tpu.memref_slice %arg10[%dma_wait3A_228, %dma_wait3A_229] : memref<10000x32xf32, #tpu.memory_space<vmem_shared>> -> memref<10000x32xf32, #tpu.memory_space<vmem_shared>>
        tpu.wait_indirect_dma semaphore(%arg16 : memref<!tpu.dma_semaphore, #tpu.memory_space<semaphore_mem>>) src(%dma_wait3A_230 : memref<10000x32xf32, #tpu.memory_space<vmem_shared>>) dst(%dma_wait3A_224 : memref<128x32xf32, #tpu.memory_space<vmem>>)
        %add3A_231 = arith.constant 4 : i32
        %add3A_232 = arith.addi %mul3A_114, %add3A_231 : i32
        %dma_start3A_233 = arith.constant 4 : i32
        %dma_start3A_234 = arith.constant 0 : i32
        %dma_start3A_235 = arith.constant 0 : i32
        %dma_start3A_236 = tpu.memref_slice %arg9[%dma_start3A_233, %dma_start3A_234, %dma_start3A_235] : memref<8x128x32xf32, #tpu.memory_space<vmem>> -> memref<1x128x32xf32, #tpu.memory_space<vmem>>
        %dma_start3A_237 = tpu.memref_squeeze %dma_start3A_236 : memref<1x128x32xf32, #tpu.memory_space<vmem>> -> memref<128x32xf32, #tpu.memory_space<vmem>>
        %dma_start3A_238 = arith.constant 0 : i32
        %dma_start3A_239 = tpu.memref_slice %arg8[%add3A_232, %dma_start3A_238] : memref<80x128xi32, #tpu.memory_space<vmem>> -> memref<1x128xi32, #tpu.memory_space<vmem>>
        %dma_start3A_240 = tpu.memref_squeeze %dma_start3A_239 : memref<1x128xi32, #tpu.memory_space<vmem>> -> memref<128xi32, #tpu.memory_space<vmem>>
        %dma_start3A_241 = arith.constant 0 : i32
        %dma_start3A_242 = arith.constant 0 : i32
        %dma_start3A_243 = tpu.memref_slice %arg11[%dma_start3A_241, %dma_start3A_242] : memref<10112x32xf32, #tpu.memory_space<vmem_shared>> -> memref<10112x32xf32, #tpu.memory_space<vmem_shared>>
        tpu.enqueue_indirect_dma source(%dma_start3A_237 : memref<128x32xf32, #tpu.memory_space<vmem>>) target(%dma_start3A_243 : memref<10112x32xf32, #tpu.memory_space<vmem_shared>>) offsets(%dma_start3A_240 : memref<128xi32, #tpu.memory_space<vmem>>) semaphore(%arg24 : memref<!tpu.dma_semaphore, #tpu.memory_space<semaphore_mem>>) {add = true}
        %add3A_244 = arith.constant 5 : i32
        %add3A_245 = arith.addi %mul3A_114, %add3A_244 : i32
        %dma_wait3A_246 = arith.constant 5 : i32
        %dma_wait3A_247 = arith.constant 0 : i32
        %dma_wait3A_248 = arith.constant 0 : i32
        %dma_wait3A_249 = tpu.memref_slice %arg9[%dma_wait3A_246, %dma_wait3A_247, %dma_wait3A_248] : memref<8x128x32xf32, #tpu.memory_space<vmem>> -> memref<1x128x32xf32, #tpu.memory_space<vmem>>
        %dma_wait3A_250 = tpu.memref_squeeze %dma_wait3A_249 : memref<1x128x32xf32, #tpu.memory_space<vmem>> -> memref<128x32xf32, #tpu.memory_space<vmem>>
        %dma_wait3A_251 = arith.constant 0 : i32
        %dma_wait3A_252 = tpu.memref_slice %arg7[%add3A_245, %dma_wait3A_251] : memref<80x128xi32, #tpu.memory_space<vmem>> -> memref<1x128xi32, #tpu.memory_space<vmem>>
        %dma_wait3A_253 = tpu.memref_squeeze %dma_wait3A_252 : memref<1x128xi32, #tpu.memory_space<vmem>> -> memref<128xi32, #tpu.memory_space<vmem>>
        %dma_wait3A_254 = arith.constant 0 : i32
        %dma_wait3A_255 = arith.constant 0 : i32
        %dma_wait3A_256 = tpu.memref_slice %arg10[%dma_wait3A_254, %dma_wait3A_255] : memref<10000x32xf32, #tpu.memory_space<vmem_shared>> -> memref<10000x32xf32, #tpu.memory_space<vmem_shared>>
        tpu.wait_indirect_dma semaphore(%arg17 : memref<!tpu.dma_semaphore, #tpu.memory_space<semaphore_mem>>) src(%dma_wait3A_256 : memref<10000x32xf32, #tpu.memory_space<vmem_shared>>) dst(%dma_wait3A_250 : memref<128x32xf32, #tpu.memory_space<vmem>>)
        %add3A_257 = arith.constant 5 : i32
        %add3A_258 = arith.addi %mul3A_114, %add3A_257 : i32
        %dma_start3A_259 = arith.constant 5 : i32
        %dma_start3A_260 = arith.constant 0 : i32
        %dma_start3A_261 = arith.constant 0 : i32
        %dma_start3A_262 = tpu.memref_slice %arg9[%dma_start3A_259, %dma_start3A_260, %dma_start3A_261] : memref<8x128x32xf32, #tpu.memory_space<vmem>> -> memref<1x128x32xf32, #tpu.memory_space<vmem>>
        %dma_start3A_263 = tpu.memref_squeeze %dma_start3A_262 : memref<1x128x32xf32, #tpu.memory_space<vmem>> -> memref<128x32xf32, #tpu.memory_space<vmem>>
        %dma_start3A_264 = arith.constant 0 : i32
        %dma_start3A_265 = tpu.memref_slice %arg8[%add3A_258, %dma_start3A_264] : memref<80x128xi32, #tpu.memory_space<vmem>> -> memref<1x128xi32, #tpu.memory_space<vmem>>
        %dma_start3A_266 = tpu.memref_squeeze %dma_start3A_265 : memref<1x128xi32, #tpu.memory_space<vmem>> -> memref<128xi32, #tpu.memory_space<vmem>>
        %dma_start3A_267 = arith.constant 0 : i32
        %dma_start3A_268 = arith.constant 0 : i32
        %dma_start3A_269 = tpu.memref_slice %arg11[%dma_start3A_267, %dma_start3A_268] : memref<10112x32xf32, #tpu.memory_space<vmem_shared>> -> memref<10112x32xf32, #tpu.memory_space<vmem_shared>>
        tpu.enqueue_indirect_dma source(%dma_start3A_263 : memref<128x32xf32, #tpu.memory_space<vmem>>) target(%dma_start3A_269 : memref<10112x32xf32, #tpu.memory_space<vmem_shared>>) offsets(%dma_start3A_266 : memref<128xi32, #tpu.memory_space<vmem>>) semaphore(%arg25 : memref<!tpu.dma_semaphore, #tpu.memory_space<semaphore_mem>>) {add = true}
        %add3A_270 = arith.constant 6 : i32
        %add3A_271 = arith.addi %mul3A_114, %add3A_270 : i32
        %dma_wait3A_272 = arith.constant 6 : i32
        %dma_wait3A_273 = arith.constant 0 : i32
        %dma_wait3A_274 = arith.constant 0 : i32
        %dma_wait3A_275 = tpu.memref_slice %arg9[%dma_wait3A_272, %dma_wait3A_273, %dma_wait3A_274] : memref<8x128x32xf32, #tpu.memory_space<vmem>> -> memref<1x128x32xf32, #tpu.memory_space<vmem>>
        %dma_wait3A_276 = tpu.memref_squeeze %dma_wait3A_275 : memref<1x128x32xf32, #tpu.memory_space<vmem>> -> memref<128x32xf32, #tpu.memory_space<vmem>>
        %dma_wait3A_277 = arith.constant 0 : i32
        %dma_wait3A_278 = tpu.memref_slice %arg7[%add3A_271, %dma_wait3A_277] : memref<80x128xi32, #tpu.memory_space<vmem>> -> memref<1x128xi32, #tpu.memory_space<vmem>>
        %dma_wait3A_279 = tpu.memref_squeeze %dma_wait3A_278 : memref<1x128xi32, #tpu.memory_space<vmem>> -> memref<128xi32, #tpu.memory_space<vmem>>
        %dma_wait3A_280 = arith.constant 0 : i32
        %dma_wait3A_281 = arith.constant 0 : i32
        %dma_wait3A_282 = tpu.memref_slice %arg10[%dma_wait3A_280, %dma_wait3A_281] : memref<10000x32xf32, #tpu.memory_space<vmem_shared>> -> memref<10000x32xf32, #tpu.memory_space<vmem_shared>>
        tpu.wait_indirect_dma semaphore(%arg18 : memref<!tpu.dma_semaphore, #tpu.memory_space<semaphore_mem>>) src(%dma_wait3A_282 : memref<10000x32xf32, #tpu.memory_space<vmem_shared>>) dst(%dma_wait3A_276 : memref<128x32xf32, #tpu.memory_space<vmem>>)
        %add3A_283 = arith.constant 6 : i32
        %add3A_284 = arith.addi %mul3A_114, %add3A_283 : i32
        %dma_start3A_285 = arith.constant 6 : i32
        %dma_start3A_286 = arith.constant 0 : i32
        %dma_start3A_287 = arith.constant 0 : i32
        %dma_start3A_288 = tpu.memref_slice %arg9[%dma_start3A_285, %dma_start3A_286, %dma_start3A_287] : memref<8x128x32xf32, #tpu.memory_space<vmem>> -> memref<1x128x32xf32, #tpu.memory_space<vmem>>
        %dma_start3A_289 = tpu.memref_squeeze %dma_start3A_288 : memref<1x128x32xf32, #tpu.memory_space<vmem>> -> memref<128x32xf32, #tpu.memory_space<vmem>>
        %dma_start3A_290 = arith.constant 0 : i32
        %dma_start3A_291 = tpu.memref_slice %arg8[%add3A_284, %dma_start3A_290] : memref<80x128xi32, #tpu.memory_space<vmem>> -> memref<1x128xi32, #tpu.memory_space<vmem>>
        %dma_start3A_292 = tpu.memref_squeeze %dma_start3A_291 : memref<1x128xi32, #tpu.memory_space<vmem>> -> memref<128xi32, #tpu.memory_space<vmem>>
        %dma_start3A_293 = arith.constant 0 : i32
        %dma_start3A_294 = arith.constant 0 : i32
        %dma_start3A_295 = tpu.memref_slice %arg11[%dma_start3A_293, %dma_start3A_294] : memref<10112x32xf32, #tpu.memory_space<vmem_shared>> -> memref<10112x32xf32, #tpu.memory_space<vmem_shared>>
        tpu.enqueue_indirect_dma source(%dma_start3A_289 : memref<128x32xf32, #tpu.memory_space<vmem>>) target(%dma_start3A_295 : memref<10112x32xf32, #tpu.memory_space<vmem_shared>>) offsets(%dma_start3A_292 : memref<128xi32, #tpu.memory_space<vmem>>) semaphore(%arg26 : memref<!tpu.dma_semaphore, #tpu.memory_space<semaphore_mem>>) {add = true}
        %add3A_296 = arith.constant 7 : i32
        %add3A_297 = arith.addi %mul3A_114, %add3A_296 : i32
        %dma_wait3A_298 = arith.constant 7 : i32
        %dma_wait3A_299 = arith.constant 0 : i32
        %dma_wait3A_300 = arith.constant 0 : i32
        %dma_wait3A_301 = tpu.memref_slice %arg9[%dma_wait3A_298, %dma_wait3A_299, %dma_wait3A_300] : memref<8x128x32xf32, #tpu.memory_space<vmem>> -> memref<1x128x32xf32, #tpu.memory_space<vmem>>
        %dma_wait3A_302 = tpu.memref_squeeze %dma_wait3A_301 : memref<1x128x32xf32, #tpu.memory_space<vmem>> -> memref<128x32xf32, #tpu.memory_space<vmem>>
        %dma_wait3A_303 = arith.constant 0 : i32
        %dma_wait3A_304 = tpu.memref_slice %arg7[%add3A_297, %dma_wait3A_303] : memref<80x128xi32, #tpu.memory_space<vmem>> -> memref<1x128xi32, #tpu.memory_space<vmem>>
        %dma_wait3A_305 = tpu.memref_squeeze %dma_wait3A_304 : memref<1x128xi32, #tpu.memory_space<vmem>> -> memref<128xi32, #tpu.memory_space<vmem>>
        %dma_wait3A_306 = arith.constant 0 : i32
        %dma_wait3A_307 = arith.constant 0 : i32
        %dma_wait3A_308 = tpu.memref_slice %arg10[%dma_wait3A_306, %dma_wait3A_307] : memref<10000x32xf32, #tpu.memory_space<vmem_shared>> -> memref<10000x32xf32, #tpu.memory_space<vmem_shared>>
        tpu.wait_indirect_dma semaphore(%arg19 : memref<!tpu.dma_semaphore, #tpu.memory_space<semaphore_mem>>) src(%dma_wait3A_308 : memref<10000x32xf32, #tpu.memory_space<vmem_shared>>) dst(%dma_wait3A_302 : memref<128x32xf32, #tpu.memory_space<vmem>>)
        %add3A_309 = arith.constant 7 : i32
        %add3A_310 = arith.addi %mul3A_114, %add3A_309 : i32
        %dma_start3A_311 = arith.constant 7 : i32
        %dma_start3A_312 = arith.constant 0 : i32
        %dma_start3A_313 = arith.constant 0 : i32
        %dma_start3A_314 = tpu.memref_slice %arg9[%dma_start3A_311, %dma_start3A_312, %dma_start3A_313] : memref<8x128x32xf32, #tpu.memory_space<vmem>> -> memref<1x128x32xf32, #tpu.memory_space<vmem>>
        %dma_start3A_315 = tpu.memref_squeeze %dma_start3A_314 : memref<1x128x32xf32, #tpu.memory_space<vmem>> -> memref<128x32xf32, #tpu.memory_space<vmem>>
        %dma_start3A_316 = arith.constant 0 : i32
        %dma_start3A_317 = tpu.memref_slice %arg8[%add3A_310, %dma_start3A_316] : memref<80x128xi32, #tpu.memory_space<vmem>> -> memref<1x128xi32, #tpu.memory_space<vmem>>
        %dma_start3A_318 = tpu.memref_squeeze %dma_start3A_317 : memref<1x128xi32, #tpu.memory_space<vmem>> -> memref<128xi32, #tpu.memory_space<vmem>>
        %dma_start3A_319 = arith.constant 0 : i32
        %dma_start3A_320 = arith.constant 0 : i32
        %dma_start3A_321 = tpu.memref_slice %arg11[%dma_start3A_319, %dma_start3A_320] : memref<10112x32xf32, #tpu.memory_space<vmem_shared>> -> memref<10112x32xf32, #tpu.memory_space<vmem_shared>>
        tpu.enqueue_indirect_dma source(%dma_start3A_315 : memref<128x32xf32, #tpu.memory_space<vmem>>) target(%dma_start3A_321 : memref<10112x32xf32, #tpu.memory_space<vmem_shared>>) offsets(%dma_start3A_318 : memref<128xi32, #tpu.memory_space<vmem>>) semaphore(%arg27 : memref<!tpu.dma_semaphore, #tpu.memory_space<semaphore_mem>>) {add = true}
        %dma_wait3A_322 = arith.constant 0 : i32
        %dma_wait3A_323 = arith.constant 0 : i32
        %dma_wait3A_324 = arith.constant 0 : i32
        %dma_wait3A_325 = tpu.memref_slice %arg9[%dma_wait3A_322, %dma_wait3A_323, %dma_wait3A_324] : memref<8x128x32xf32, #tpu.memory_space<vmem>> -> memref<1x128x32xf32, #tpu.memory_space<vmem>>
        %dma_wait3A_326 = tpu.memref_squeeze %dma_wait3A_325 : memref<1x128x32xf32, #tpu.memory_space<vmem>> -> memref<128x32xf32, #tpu.memory_space<vmem>>
        %dma_wait3A_327 = arith.constant 0 : i32
        %dma_wait3A_328 = tpu.memref_slice %arg8[%add3A_128, %dma_wait3A_327] : memref<80x128xi32, #tpu.memory_space<vmem>> -> memref<1x128xi32, #tpu.memory_space<vmem>>
        %dma_wait3A_329 = tpu.memref_squeeze %dma_wait3A_328 : memref<1x128xi32, #tpu.memory_space<vmem>> -> memref<128xi32, #tpu.memory_space<vmem>>
        %dma_wait3A_330 = arith.constant 0 : i32
        %dma_wait3A_331 = arith.constant 0 : i32
        %dma_wait3A_332 = tpu.memref_slice %arg11[%dma_wait3A_330, %dma_wait3A_331] : memref<10112x32xf32, #tpu.memory_space<vmem_shared>> -> memref<10112x32xf32, #tpu.memory_space<vmem_shared>>
        tpu.wait_indirect_dma semaphore(%arg20 : memref<!tpu.dma_semaphore, #tpu.memory_space<semaphore_mem>>) src(%dma_wait3A_326 : memref<128x32xf32, #tpu.memory_space<vmem>>) dst(%dma_wait3A_332 : memref<10112x32xf32, #tpu.memory_space<vmem_shared>>)
        %add3A_333 = arith.constant 0 : i32
        %add3A_334 = arith.addi %mul3A_114, %add3A_333 : i32
        %add3A_335 = arith.constant 8 : i32
        %add3A_336 = arith.addi %add3A_334, %add3A_335 : i32
        %lt3A_337 = arith.constant 80 : i32
        %lt3A_338 = arith.cmpi slt, %add3A_336, %lt3A_337 : i32
        %convert_element_type3A_339 = arith.extui %lt3A_338 : i1 to i32
        %cond3A_340 = arith.constant 0 : i32
        %cond3A_341 = arith.cmpi ne, %convert_element_type3A_339, %cond3A_340 : i32
        scf.if %cond3A_341 {
          %add3A_482 = arith.constant 0 : i32
          %add3A_483 = arith.addi %mul3A_114, %add3A_482 : i32
          %add3A_484 = arith.constant 8 : i32
          %add3A_485 = arith.addi %add3A_483, %add3A_484 : i32
          %dma_start3A_486 = arith.constant 0 : i32
          %dma_start3A_487 = arith.constant 0 : i32
          %dma_start3A_488 = arith.constant 0 : i32
          %dma_start3A_489 = tpu.memref_slice %arg9[%dma_start3A_486, %dma_start3A_487, %dma_start3A_488] : memref<8x128x32xf32, #tpu.memory_space<vmem>> -> memref<1x128x32xf32, #tpu.memory_space<vmem>>
          %dma_start3A_490 = tpu.memref_squeeze %dma_start3A_489 : memref<1x128x32xf32, #tpu.memory_space<vmem>> -> memref<128x32xf32, #tpu.memory_space<vmem>>
          %dma_start3A_491 = arith.constant 0 : i32
          %dma_start3A_492 = tpu.memref_slice %arg7[%add3A_485, %dma_start3A_491] : memref<80x128xi32, #tpu.memory_space<vmem>> -> memref<1x128xi32, #tpu.memory_space<vmem>>
          %dma_start3A_493 = tpu.memref_squeeze %dma_start3A_492 : memref<1x128xi32, #tpu.memory_space<vmem>> -> memref<128xi32, #tpu.memory_space<vmem>>
          %dma_start3A_494 = arith.constant 0 : i32
          %dma_start3A_495 = arith.constant 0 : i32
          %dma_start3A_496 = tpu.memref_slice %arg10[%dma_start3A_494, %dma_start3A_495] : memref<10000x32xf32, #tpu.memory_space<vmem_shared>> -> memref<10000x32xf32, #tpu.memory_space<vmem_shared>>
          tpu.enqueue_indirect_dma source(%dma_start3A_496 : memref<10000x32xf32, #tpu.memory_space<vmem_shared>>) target(%dma_start3A_490 : memref<128x32xf32, #tpu.memory_space<vmem>>) offsets(%dma_start3A_493 : memref<128xi32, #tpu.memory_space<vmem>>) semaphore(%arg12 : memref<!tpu.dma_semaphore, #tpu.memory_space<semaphore_mem>>)
        } else {
        }
        %dma_wait3A_342 = arith.constant 1 : i32
        %dma_wait3A_343 = arith.constant 0 : i32
        %dma_wait3A_344 = arith.constant 0 : i32
        %dma_wait3A_345 = tpu.memref_slice %arg9[%dma_wait3A_342, %dma_wait3A_343, %dma_wait3A_344] : memref<8x128x32xf32, #tpu.memory_space<vmem>> -> memref<1x128x32xf32, #tpu.memory_space<vmem>>
        %dma_wait3A_346 = tpu.memref_squeeze %dma_wait3A_345 : memref<1x128x32xf32, #tpu.memory_space<vmem>> -> memref<128x32xf32, #tpu.memory_space<vmem>>
        %dma_wait3A_347 = arith.constant 0 : i32
        %dma_wait3A_348 = tpu.memref_slice %arg8[%add3A_154, %dma_wait3A_347] : memref<80x128xi32, #tpu.memory_space<vmem>> -> memref<1x128xi32, #tpu.memory_space<vmem>>
        %dma_wait3A_349 = tpu.memref_squeeze %dma_wait3A_348 : memref<1x128xi32, #tpu.memory_space<vmem>> -> memref<128xi32, #tpu.memory_space<vmem>>
        %dma_wait3A_350 = arith.constant 0 : i32
        %dma_wait3A_351 = arith.constant 0 : i32
        %dma_wait3A_352 = tpu.memref_slice %arg11[%dma_wait3A_350, %dma_wait3A_351] : memref<10112x32xf32, #tpu.memory_space<vmem_shared>> -> memref<10112x32xf32, #tpu.memory_space<vmem_shared>>
        tpu.wait_indirect_dma semaphore(%arg21 : memref<!tpu.dma_semaphore, #tpu.memory_space<semaphore_mem>>) src(%dma_wait3A_346 : memref<128x32xf32, #tpu.memory_space<vmem>>) dst(%dma_wait3A_352 : memref<10112x32xf32, #tpu.memory_space<vmem_shared>>)
        %add3A_353 = arith.constant 1 : i32
        %add3A_354 = arith.addi %mul3A_114, %add3A_353 : i32
        %add3A_355 = arith.constant 8 : i32
        %add3A_356 = arith.addi %add3A_354, %add3A_355 : i32
        %lt3A_357 = arith.constant 80 : i32
        %lt3A_358 = arith.cmpi slt, %add3A_356, %lt3A_357 : i32
        %convert_element_type3A_359 = arith.extui %lt3A_358 : i1 to i32
        %cond3A_360 = arith.constant 0 : i32
        %cond3A_361 = arith.cmpi ne, %convert_element_type3A_359, %cond3A_360 : i32
        scf.if %cond3A_361 {
          %add3A_482 = arith.constant 1 : i32
          %add3A_483 = arith.addi %mul3A_114, %add3A_482 : i32
          %add3A_484 = arith.constant 8 : i32
          %add3A_485 = arith.addi %add3A_483, %add3A_484 : i32
          %dma_start3A_486 = arith.constant 1 : i32
          %dma_start3A_487 = arith.constant 0 : i32
          %dma_start3A_488 = arith.constant 0 : i32
          %dma_start3A_489 = tpu.memref_slice %arg9[%dma_start3A_486, %dma_start3A_487, %dma_start3A_488] : memref<8x128x32xf32, #tpu.memory_space<vmem>> -> memref<1x128x32xf32, #tpu.memory_space<vmem>>
          %dma_start3A_490 = tpu.memref_squeeze %dma_start3A_489 : memref<1x128x32xf32, #tpu.memory_space<vmem>> -> memref<128x32xf32, #tpu.memory_space<vmem>>
          %dma_start3A_491 = arith.constant 0 : i32
          %dma_start3A_492 = tpu.memref_slice %arg7[%add3A_485, %dma_start3A_491] : memref<80x128xi32, #tpu.memory_space<vmem>> -> memref<1x128xi32, #tpu.memory_space<vmem>>
          %dma_start3A_493 = tpu.memref_squeeze %dma_start3A_492 : memref<1x128xi32, #tpu.memory_space<vmem>> -> memref<128xi32, #tpu.memory_space<vmem>>
          %dma_start3A_494 = arith.constant 0 : i32
          %dma_start3A_495 = arith.constant 0 : i32
          %dma_start3A_496 = tpu.memref_slice %arg10[%dma_start3A_494, %dma_start3A_495] : memref<10000x32xf32, #tpu.memory_space<vmem_shared>> -> memref<10000x32xf32, #tpu.memory_space<vmem_shared>>
          tpu.enqueue_indirect_dma source(%dma_start3A_496 : memref<10000x32xf32, #tpu.memory_space<vmem_shared>>) target(%dma_start3A_490 : memref<128x32xf32, #tpu.memory_space<vmem>>) offsets(%dma_start3A_493 : memref<128xi32, #tpu.memory_space<vmem>>) semaphore(%arg13 : memref<!tpu.dma_semaphore, #tpu.memory_space<semaphore_mem>>)
        } else {
        }
        %dma_wait3A_362 = arith.constant 2 : i32
        %dma_wait3A_363 = arith.constant 0 : i32
        %dma_wait3A_364 = arith.constant 0 : i32
        %dma_wait3A_365 = tpu.memref_slice %arg9[%dma_wait3A_362, %dma_wait3A_363, %dma_wait3A_364] : memref<8x128x32xf32, #tpu.memory_space<vmem>> -> memref<1x128x32xf32, #tpu.memory_space<vmem>>
        %dma_wait3A_366 = tpu.memref_squeeze %dma_wait3A_365 : memref<1x128x32xf32, #tpu.memory_space<vmem>> -> memref<128x32xf32, #tpu.memory_space<vmem>>
        %dma_wait3A_367 = arith.constant 0 : i32
        %dma_wait3A_368 = tpu.memref_slice %arg8[%add3A_180, %dma_wait3A_367] : memref<80x128xi32, #tpu.memory_space<vmem>> -> memref<1x128xi32, #tpu.memory_space<vmem>>
        %dma_wait3A_369 = tpu.memref_squeeze %dma_wait3A_368 : memref<1x128xi32, #tpu.memory_space<vmem>> -> memref<128xi32, #tpu.memory_space<vmem>>
        %dma_wait3A_370 = arith.constant 0 : i32
        %dma_wait3A_371 = arith.constant 0 : i32
        %dma_wait3A_372 = tpu.memref_slice %arg11[%dma_wait3A_370, %dma_wait3A_371] : memref<10112x32xf32, #tpu.memory_space<vmem_shared>> -> memref<10112x32xf32, #tpu.memory_space<vmem_shared>>
        tpu.wait_indirect_dma semaphore(%arg22 : memref<!tpu.dma_semaphore, #tpu.memory_space<semaphore_mem>>) src(%dma_wait3A_366 : memref<128x32xf32, #tpu.memory_space<vmem>>) dst(%dma_wait3A_372 : memref<10112x32xf32, #tpu.memory_space<vmem_shared>>)
        %add3A_373 = arith.constant 2 : i32
        %add3A_374 = arith.addi %mul3A_114, %add3A_373 : i32
        %add3A_375 = arith.constant 8 : i32
        %add3A_376 = arith.addi %add3A_374, %add3A_375 : i32
        %lt3A_377 = arith.constant 80 : i32
        %lt3A_378 = arith.cmpi slt, %add3A_376, %lt3A_377 : i32
        %convert_element_type3A_379 = arith.extui %lt3A_378 : i1 to i32
        %cond3A_380 = arith.constant 0 : i32
        %cond3A_381 = arith.cmpi ne, %convert_element_type3A_379, %cond3A_380 : i32
        scf.if %cond3A_381 {
          %add3A_482 = arith.constant 2 : i32
          %add3A_483 = arith.addi %mul3A_114, %add3A_482 : i32
          %add3A_484 = arith.constant 8 : i32
          %add3A_485 = arith.addi %add3A_483, %add3A_484 : i32
          %dma_start3A_486 = arith.constant 2 : i32
          %dma_start3A_487 = arith.constant 0 : i32
          %dma_start3A_488 = arith.constant 0 : i32
          %dma_start3A_489 = tpu.memref_slice %arg9[%dma_start3A_486, %dma_start3A_487, %dma_start3A_488] : memref<8x128x32xf32, #tpu.memory_space<vmem>> -> memref<1x128x32xf32, #tpu.memory_space<vmem>>
          %dma_start3A_490 = tpu.memref_squeeze %dma_start3A_489 : memref<1x128x32xf32, #tpu.memory_space<vmem>> -> memref<128x32xf32, #tpu.memory_space<vmem>>
          %dma_start3A_491 = arith.constant 0 : i32
          %dma_start3A_492 = tpu.memref_slice %arg7[%add3A_485, %dma_start3A_491] : memref<80x128xi32, #tpu.memory_space<vmem>> -> memref<1x128xi32, #tpu.memory_space<vmem>>
          %dma_start3A_493 = tpu.memref_squeeze %dma_start3A_492 : memref<1x128xi32, #tpu.memory_space<vmem>> -> memref<128xi32, #tpu.memory_space<vmem>>
          %dma_start3A_494 = arith.constant 0 : i32
          %dma_start3A_495 = arith.constant 0 : i32
          %dma_start3A_496 = tpu.memref_slice %arg10[%dma_start3A_494, %dma_start3A_495] : memref<10000x32xf32, #tpu.memory_space<vmem_shared>> -> memref<10000x32xf32, #tpu.memory_space<vmem_shared>>
          tpu.enqueue_indirect_dma source(%dma_start3A_496 : memref<10000x32xf32, #tpu.memory_space<vmem_shared>>) target(%dma_start3A_490 : memref<128x32xf32, #tpu.memory_space<vmem>>) offsets(%dma_start3A_493 : memref<128xi32, #tpu.memory_space<vmem>>) semaphore(%arg14 : memref<!tpu.dma_semaphore, #tpu.memory_space<semaphore_mem>>)
        } else {
        }
        %dma_wait3A_382 = arith.constant 3 : i32
        %dma_wait3A_383 = arith.constant 0 : i32
        %dma_wait3A_384 = arith.constant 0 : i32
        %dma_wait3A_385 = tpu.memref_slice %arg9[%dma_wait3A_382, %dma_wait3A_383, %dma_wait3A_384] : memref<8x128x32xf32, #tpu.memory_space<vmem>> -> memref<1x128x32xf32, #tpu.memory_space<vmem>>
        %dma_wait3A_386 = tpu.memref_squeeze %dma_wait3A_385 : memref<1x128x32xf32, #tpu.memory_space<vmem>> -> memref<128x32xf32, #tpu.memory_space<vmem>>
        %dma_wait3A_387 = arith.constant 0 : i32
        %dma_wait3A_388 = tpu.memref_slice %arg8[%add3A_206, %dma_wait3A_387] : memref<80x128xi32, #tpu.memory_space<vmem>> -> memref<1x128xi32, #tpu.memory_space<vmem>>
        %dma_wait3A_389 = tpu.memref_squeeze %dma_wait3A_388 : memref<1x128xi32, #tpu.memory_space<vmem>> -> memref<128xi32, #tpu.memory_space<vmem>>
        %dma_wait3A_390 = arith.constant 0 : i32
        %dma_wait3A_391 = arith.constant 0 : i32
        %dma_wait3A_392 = tpu.memref_slice %arg11[%dma_wait3A_390, %dma_wait3A_391] : memref<10112x32xf32, #tpu.memory_space<vmem_shared>> -> memref<10112x32xf32, #tpu.memory_space<vmem_shared>>
        tpu.wait_indirect_dma semaphore(%arg23 : memref<!tpu.dma_semaphore, #tpu.memory_space<semaphore_mem>>) src(%dma_wait3A_386 : memref<128x32xf32, #tpu.memory_space<vmem>>) dst(%dma_wait3A_392 : memref<10112x32xf32, #tpu.memory_space<vmem_shared>>)
        %add3A_393 = arith.constant 3 : i32
        %add3A_394 = arith.addi %mul3A_114, %add3A_393 : i32
        %add3A_395 = arith.constant 8 : i32
        %add3A_396 = arith.addi %add3A_394, %add3A_395 : i32
        %lt3A_397 = arith.constant 80 : i32
        %lt3A_398 = arith.cmpi slt, %add3A_396, %lt3A_397 : i32
        %convert_element_type3A_399 = arith.extui %lt3A_398 : i1 to i32
        %cond3A_400 = arith.constant 0 : i32
        %cond3A_401 = arith.cmpi ne, %convert_element_type3A_399, %cond3A_400 : i32
        scf.if %cond3A_401 {
          %add3A_482 = arith.constant 3 : i32
          %add3A_483 = arith.addi %mul3A_114, %add3A_482 : i32
          %add3A_484 = arith.constant 8 : i32
          %add3A_485 = arith.addi %add3A_483, %add3A_484 : i32
          %dma_start3A_486 = arith.constant 3 : i32
          %dma_start3A_487 = arith.constant 0 : i32
          %dma_start3A_488 = arith.constant 0 : i32
          %dma_start3A_489 = tpu.memref_slice %arg9[%dma_start3A_486, %dma_start3A_487, %dma_start3A_488] : memref<8x128x32xf32, #tpu.memory_space<vmem>> -> memref<1x128x32xf32, #tpu.memory_space<vmem>>
          %dma_start3A_490 = tpu.memref_squeeze %dma_start3A_489 : memref<1x128x32xf32, #tpu.memory_space<vmem>> -> memref<128x32xf32, #tpu.memory_space<vmem>>
          %dma_start3A_491 = arith.constant 0 : i32
          %dma_start3A_492 = tpu.memref_slice %arg7[%add3A_485, %dma_start3A_491] : memref<80x128xi32, #tpu.memory_space<vmem>> -> memref<1x128xi32, #tpu.memory_space<vmem>>
          %dma_start3A_493 = tpu.memref_squeeze %dma_start3A_492 : memref<1x128xi32, #tpu.memory_space<vmem>> -> memref<128xi32, #tpu.memory_space<vmem>>
          %dma_start3A_494 = arith.constant 0 : i32
          %dma_start3A_495 = arith.constant 0 : i32
          %dma_start3A_496 = tpu.memref_slice %arg10[%dma_start3A_494, %dma_start3A_495] : memref<10000x32xf32, #tpu.memory_space<vmem_shared>> -> memref<10000x32xf32, #tpu.memory_space<vmem_shared>>
          tpu.enqueue_indirect_dma source(%dma_start3A_496 : memref<10000x32xf32, #tpu.memory_space<vmem_shared>>) target(%dma_start3A_490 : memref<128x32xf32, #tpu.memory_space<vmem>>) offsets(%dma_start3A_493 : memref<128xi32, #tpu.memory_space<vmem>>) semaphore(%arg15 : memref<!tpu.dma_semaphore, #tpu.memory_space<semaphore_mem>>)
        } else {
        }
        %dma_wait3A_402 = arith.constant 4 : i32
        %dma_wait3A_403 = arith.constant 0 : i32
        %dma_wait3A_404 = arith.constant 0 : i32
        %dma_wait3A_405 = tpu.memref_slice %arg9[%dma_wait3A_402, %dma_wait3A_403, %dma_wait3A_404] : memref<8x128x32xf32, #tpu.memory_space<vmem>> -> memref<1x128x32xf32, #tpu.memory_space<vmem>>
        %dma_wait3A_406 = tpu.memref_squeeze %dma_wait3A_405 : memref<1x128x32xf32, #tpu.memory_space<vmem>> -> memref<128x32xf32, #tpu.memory_space<vmem>>
        %dma_wait3A_407 = arith.constant 0 : i32
        %dma_wait3A_408 = tpu.memref_slice %arg8[%add3A_232, %dma_wait3A_407] : memref<80x128xi32, #tpu.memory_space<vmem>> -> memref<1x128xi32, #tpu.memory_space<vmem>>
        %dma_wait3A_409 = tpu.memref_squeeze %dma_wait3A_408 : memref<1x128xi32, #tpu.memory_space<vmem>> -> memref<128xi32, #tpu.memory_space<vmem>>
        %dma_wait3A_410 = arith.constant 0 : i32
        %dma_wait3A_411 = arith.constant 0 : i32
        %dma_wait3A_412 = tpu.memref_slice %arg11[%dma_wait3A_410, %dma_wait3A_411] : memref<10112x32xf32, #tpu.memory_space<vmem_shared>> -> memref<10112x32xf32, #tpu.memory_space<vmem_shared>>
        tpu.wait_indirect_dma semaphore(%arg24 : memref<!tpu.dma_semaphore, #tpu.memory_space<semaphore_mem>>) src(%dma_wait3A_406 : memref<128x32xf32, #tpu.memory_space<vmem>>) dst(%dma_wait3A_412 : memref<10112x32xf32, #tpu.memory_space<vmem_shared>>)
        %add3A_413 = arith.constant 4 : i32
        %add3A_414 = arith.addi %mul3A_114, %add3A_413 : i32
        %add3A_415 = arith.constant 8 : i32
        %add3A_416 = arith.addi %add3A_414, %add3A_415 : i32
        %lt3A_417 = arith.constant 80 : i32
        %lt3A_418 = arith.cmpi slt, %add3A_416, %lt3A_417 : i32
        %convert_element_type3A_419 = arith.extui %lt3A_418 : i1 to i32
        %cond3A_420 = arith.constant 0 : i32
        %cond3A_421 = arith.cmpi ne, %convert_element_type3A_419, %cond3A_420 : i32
        scf.if %cond3A_421 {
          %add3A_482 = arith.constant 4 : i32
          %add3A_483 = arith.addi %mul3A_114, %add3A_482 : i32
          %add3A_484 = arith.constant 8 : i32
          %add3A_485 = arith.addi %add3A_483, %add3A_484 : i32
          %dma_start3A_486 = arith.constant 4 : i32
          %dma_start3A_487 = arith.constant 0 : i32
          %dma_start3A_488 = arith.constant 0 : i32
          %dma_start3A_489 = tpu.memref_slice %arg9[%dma_start3A_486, %dma_start3A_487, %dma_start3A_488] : memref<8x128x32xf32, #tpu.memory_space<vmem>> -> memref<1x128x32xf32, #tpu.memory_space<vmem>>
          %dma_start3A_490 = tpu.memref_squeeze %dma_start3A_489 : memref<1x128x32xf32, #tpu.memory_space<vmem>> -> memref<128x32xf32, #tpu.memory_space<vmem>>
          %dma_start3A_491 = arith.constant 0 : i32
          %dma_start3A_492 = tpu.memref_slice %arg7[%add3A_485, %dma_start3A_491] : memref<80x128xi32, #tpu.memory_space<vmem>> -> memref<1x128xi32, #tpu.memory_space<vmem>>
          %dma_start3A_493 = tpu.memref_squeeze %dma_start3A_492 : memref<1x128xi32, #tpu.memory_space<vmem>> -> memref<128xi32, #tpu.memory_space<vmem>>
          %dma_start3A_494 = arith.constant 0 : i32
          %dma_start3A_495 = arith.constant 0 : i32
          %dma_start3A_496 = tpu.memref_slice %arg10[%dma_start3A_494, %dma_start3A_495] : memref<10000x32xf32, #tpu.memory_space<vmem_shared>> -> memref<10000x32xf32, #tpu.memory_space<vmem_shared>>
          tpu.enqueue_indirect_dma source(%dma_start3A_496 : memref<10000x32xf32, #tpu.memory_space<vmem_shared>>) target(%dma_start3A_490 : memref<128x32xf32, #tpu.memory_space<vmem>>) offsets(%dma_start3A_493 : memref<128xi32, #tpu.memory_space<vmem>>) semaphore(%arg16 : memref<!tpu.dma_semaphore, #tpu.memory_space<semaphore_mem>>)
        } else {
        }
        %dma_wait3A_422 = arith.constant 5 : i32
        %dma_wait3A_423 = arith.constant 0 : i32
        %dma_wait3A_424 = arith.constant 0 : i32
        %dma_wait3A_425 = tpu.memref_slice %arg9[%dma_wait3A_422, %dma_wait3A_423, %dma_wait3A_424] : memref<8x128x32xf32, #tpu.memory_space<vmem>> -> memref<1x128x32xf32, #tpu.memory_space<vmem>>
        %dma_wait3A_426 = tpu.memref_squeeze %dma_wait3A_425 : memref<1x128x32xf32, #tpu.memory_space<vmem>> -> memref<128x32xf32, #tpu.memory_space<vmem>>
        %dma_wait3A_427 = arith.constant 0 : i32
        %dma_wait3A_428 = tpu.memref_slice %arg8[%add3A_258, %dma_wait3A_427] : memref<80x128xi32, #tpu.memory_space<vmem>> -> memref<1x128xi32, #tpu.memory_space<vmem>>
        %dma_wait3A_429 = tpu.memref_squeeze %dma_wait3A_428 : memref<1x128xi32, #tpu.memory_space<vmem>> -> memref<128xi32, #tpu.memory_space<vmem>>
        %dma_wait3A_430 = arith.constant 0 : i32
        %dma_wait3A_431 = arith.constant 0 : i32
        %dma_wait3A_432 = tpu.memref_slice %arg11[%dma_wait3A_430, %dma_wait3A_431] : memref<10112x32xf32, #tpu.memory_space<vmem_shared>> -> memref<10112x32xf32, #tpu.memory_space<vmem_shared>>
        tpu.wait_indirect_dma semaphore(%arg25 : memref<!tpu.dma_semaphore, #tpu.memory_space<semaphore_mem>>) src(%dma_wait3A_426 : memref<128x32xf32, #tpu.memory_space<vmem>>) dst(%dma_wait3A_432 : memref<10112x32xf32, #tpu.memory_space<vmem_shared>>)
        %add3A_433 = arith.constant 5 : i32
        %add3A_434 = arith.addi %mul3A_114, %add3A_433 : i32
        %add3A_435 = arith.constant 8 : i32
        %add3A_436 = arith.addi %add3A_434, %add3A_435 : i32
        %lt3A_437 = arith.constant 80 : i32
        %lt3A_438 = arith.cmpi slt, %add3A_436, %lt3A_437 : i32
        %convert_element_type3A_439 = arith.extui %lt3A_438 : i1 to i32
        %cond3A_440 = arith.constant 0 : i32
        %cond3A_441 = arith.cmpi ne, %convert_element_type3A_439, %cond3A_440 : i32
        scf.if %cond3A_441 {
          %add3A_482 = arith.constant 5 : i32
          %add3A_483 = arith.addi %mul3A_114, %add3A_482 : i32
          %add3A_484 = arith.constant 8 : i32
          %add3A_485 = arith.addi %add3A_483, %add3A_484 : i32
          %dma_start3A_486 = arith.constant 5 : i32
          %dma_start3A_487 = arith.constant 0 : i32
          %dma_start3A_488 = arith.constant 0 : i32
          %dma_start3A_489 = tpu.memref_slice %arg9[%dma_start3A_486, %dma_start3A_487, %dma_start3A_488] : memref<8x128x32xf32, #tpu.memory_space<vmem>> -> memref<1x128x32xf32, #tpu.memory_space<vmem>>
          %dma_start3A_490 = tpu.memref_squeeze %dma_start3A_489 : memref<1x128x32xf32, #tpu.memory_space<vmem>> -> memref<128x32xf32, #tpu.memory_space<vmem>>
          %dma_start3A_491 = arith.constant 0 : i32
          %dma_start3A_492 = tpu.memref_slice %arg7[%add3A_485, %dma_start3A_491] : memref<80x128xi32, #tpu.memory_space<vmem>> -> memref<1x128xi32, #tpu.memory_space<vmem>>
          %dma_start3A_493 = tpu.memref_squeeze %dma_start3A_492 : memref<1x128xi32, #tpu.memory_space<vmem>> -> memref<128xi32, #tpu.memory_space<vmem>>
          %dma_start3A_494 = arith.constant 0 : i32
          %dma_start3A_495 = arith.constant 0 : i32
          %dma_start3A_496 = tpu.memref_slice %arg10[%dma_start3A_494, %dma_start3A_495] : memref<10000x32xf32, #tpu.memory_space<vmem_shared>> -> memref<10000x32xf32, #tpu.memory_space<vmem_shared>>
          tpu.enqueue_indirect_dma source(%dma_start3A_496 : memref<10000x32xf32, #tpu.memory_space<vmem_shared>>) target(%dma_start3A_490 : memref<128x32xf32, #tpu.memory_space<vmem>>) offsets(%dma_start3A_493 : memref<128xi32, #tpu.memory_space<vmem>>) semaphore(%arg17 : memref<!tpu.dma_semaphore, #tpu.memory_space<semaphore_mem>>)
        } else {
        }
        %dma_wait3A_442 = arith.constant 6 : i32
        %dma_wait3A_443 = arith.constant 0 : i32
        %dma_wait3A_444 = arith.constant 0 : i32
        %dma_wait3A_445 = tpu.memref_slice %arg9[%dma_wait3A_442, %dma_wait3A_443, %dma_wait3A_444] : memref<8x128x32xf32, #tpu.memory_space<vmem>> -> memref<1x128x32xf32, #tpu.memory_space<vmem>>
        %dma_wait3A_446 = tpu.memref_squeeze %dma_wait3A_445 : memref<1x128x32xf32, #tpu.memory_space<vmem>> -> memref<128x32xf32, #tpu.memory_space<vmem>>
        %dma_wait3A_447 = arith.constant 0 : i32
        %dma_wait3A_448 = tpu.memref_slice %arg8[%add3A_284, %dma_wait3A_447] : memref<80x128xi32, #tpu.memory_space<vmem>> -> memref<1x128xi32, #tpu.memory_space<vmem>>
        %dma_wait3A_449 = tpu.memref_squeeze %dma_wait3A_448 : memref<1x128xi32, #tpu.memory_space<vmem>> -> memref<128xi32, #tpu.memory_space<vmem>>
        %dma_wait3A_450 = arith.constant 0 : i32
        %dma_wait3A_451 = arith.constant 0 : i32
        %dma_wait3A_452 = tpu.memref_slice %arg11[%dma_wait3A_450, %dma_wait3A_451] : memref<10112x32xf32, #tpu.memory_space<vmem_shared>> -> memref<10112x32xf32, #tpu.memory_space<vmem_shared>>
        tpu.wait_indirect_dma semaphore(%arg26 : memref<!tpu.dma_semaphore, #tpu.memory_space<semaphore_mem>>) src(%dma_wait3A_446 : memref<128x32xf32, #tpu.memory_space<vmem>>) dst(%dma_wait3A_452 : memref<10112x32xf32, #tpu.memory_space<vmem_shared>>)
        %add3A_453 = arith.constant 6 : i32
        %add3A_454 = arith.addi %mul3A_114, %add3A_453 : i32
        %add3A_455 = arith.constant 8 : i32
        %add3A_456 = arith.addi %add3A_454, %add3A_455 : i32
        %lt3A_457 = arith.constant 80 : i32
        %lt3A_458 = arith.cmpi slt, %add3A_456, %lt3A_457 : i32
        %convert_element_type3A_459 = arith.extui %lt3A_458 : i1 to i32
        %cond3A_460 = arith.constant 0 : i32
        %cond3A_461 = arith.cmpi ne, %convert_element_type3A_459, %cond3A_460 : i32
        scf.if %cond3A_461 {
          %add3A_482 = arith.constant 6 : i32
          %add3A_483 = arith.addi %mul3A_114, %add3A_482 : i32
          %add3A_484 = arith.constant 8 : i32
          %add3A_485 = arith.addi %add3A_483, %add3A_484 : i32
          %dma_start3A_486 = arith.constant 6 : i32
          %dma_start3A_487 = arith.constant 0 : i32
          %dma_start3A_488 = arith.constant 0 : i32
          %dma_start3A_489 = tpu.memref_slice %arg9[%dma_start3A_486, %dma_start3A_487, %dma_start3A_488] : memref<8x128x32xf32, #tpu.memory_space<vmem>> -> memref<1x128x32xf32, #tpu.memory_space<vmem>>
          %dma_start3A_490 = tpu.memref_squeeze %dma_start3A_489 : memref<1x128x32xf32, #tpu.memory_space<vmem>> -> memref<128x32xf32, #tpu.memory_space<vmem>>
          %dma_start3A_491 = arith.constant 0 : i32
          %dma_start3A_492 = tpu.memref_slice %arg7[%add3A_485, %dma_start3A_491] : memref<80x128xi32, #tpu.memory_space<vmem>> -> memref<1x128xi32, #tpu.memory_space<vmem>>
          %dma_start3A_493 = tpu.memref_squeeze %dma_start3A_492 : memref<1x128xi32, #tpu.memory_space<vmem>> -> memref<128xi32, #tpu.memory_space<vmem>>
          %dma_start3A_494 = arith.constant 0 : i32
          %dma_start3A_495 = arith.constant 0 : i32
          %dma_start3A_496 = tpu.memref_slice %arg10[%dma_start3A_494, %dma_start3A_495] : memref<10000x32xf32, #tpu.memory_space<vmem_shared>> -> memref<10000x32xf32, #tpu.memory_space<vmem_shared>>
          tpu.enqueue_indirect_dma source(%dma_start3A_496 : memref<10000x32xf32, #tpu.memory_space<vmem_shared>>) target(%dma_start3A_490 : memref<128x32xf32, #tpu.memory_space<vmem>>) offsets(%dma_start3A_493 : memref<128xi32, #tpu.memory_space<vmem>>) semaphore(%arg18 : memref<!tpu.dma_semaphore, #tpu.memory_space<semaphore_mem>>)
        } else {
        }
        %dma_wait3A_462 = arith.constant 7 : i32
        %dma_wait3A_463 = arith.constant 0 : i32
        %dma_wait3A_464 = arith.constant 0 : i32
        %dma_wait3A_465 = tpu.memref_slice %arg9[%dma_wait3A_462, %dma_wait3A_463, %dma_wait3A_464] : memref<8x128x32xf32, #tpu.memory_space<vmem>> -> memref<1x128x32xf32, #tpu.memory_space<vmem>>
        %dma_wait3A_466 = tpu.memref_squeeze %dma_wait3A_465 : memref<1x128x32xf32, #tpu.memory_space<vmem>> -> memref<128x32xf32, #tpu.memory_space<vmem>>
        %dma_wait3A_467 = arith.constant 0 : i32
        %dma_wait3A_468 = tpu.memref_slice %arg8[%add3A_310, %dma_wait3A_467] : memref<80x128xi32, #tpu.memory_space<vmem>> -> memref<1x128xi32, #tpu.memory_space<vmem>>
        %dma_wait3A_469 = tpu.memref_squeeze %dma_wait3A_468 : memref<1x128xi32, #tpu.memory_space<vmem>> -> memref<128xi32, #tpu.memory_space<vmem>>
        %dma_wait3A_470 = arith.constant 0 : i32
        %dma_wait3A_471 = arith.constant 0 : i32
        %dma_wait3A_472 = tpu.memref_slice %arg11[%dma_wait3A_470, %dma_wait3A_471] : memref<10112x32xf32, #tpu.memory_space<vmem_shared>> -> memref<10112x32xf32, #tpu.memory_space<vmem_shared>>
        tpu.wait_indirect_dma semaphore(%arg27 : memref<!tpu.dma_semaphore, #tpu.memory_space<semaphore_mem>>) src(%dma_wait3A_466 : memref<128x32xf32, #tpu.memory_space<vmem>>) dst(%dma_wait3A_472 : memref<10112x32xf32, #tpu.memory_space<vmem_shared>>)
        %add3A_473 = arith.constant 7 : i32
        %add3A_474 = arith.addi %mul3A_114, %add3A_473 : i32
        %add3A_475 = arith.constant 8 : i32
        %add3A_476 = arith.addi %add3A_474, %add3A_475 : i32
        %lt3A_477 = arith.constant 80 : i32
        %lt3A_478 = arith.cmpi slt, %add3A_476, %lt3A_477 : i32
        %convert_element_type3A_479 = arith.extui %lt3A_478 : i1 to i32
        %cond3A_480 = arith.constant 0 : i32
        %cond3A_481 = arith.cmpi ne, %convert_element_type3A_479, %cond3A_480 : i32
        scf.if %cond3A_481 {
          %add3A_482 = arith.constant 7 : i32
          %add3A_483 = arith.addi %mul3A_114, %add3A_482 : i32
          %add3A_484 = arith.constant 8 : i32
          %add3A_485 = arith.addi %add3A_483, %add3A_484 : i32
          %dma_start3A_486 = arith.constant 7 : i32
          %dma_start3A_487 = arith.constant 0 : i32
          %dma_start3A_488 = arith.constant 0 : i32
          %dma_start3A_489 = tpu.memref_slice %arg9[%dma_start3A_486, %dma_start3A_487, %dma_start3A_488] : memref<8x128x32xf32, #tpu.memory_space<vmem>> -> memref<1x128x32xf32, #tpu.memory_space<vmem>>
          %dma_start3A_490 = tpu.memref_squeeze %dma_start3A_489 : memref<1x128x32xf32, #tpu.memory_space<vmem>> -> memref<128x32xf32, #tpu.memory_space<vmem>>
          %dma_start3A_491 = arith.constant 0 : i32
          %dma_start3A_492 = tpu.memref_slice %arg7[%add3A_485, %dma_start3A_491] : memref<80x128xi32, #tpu.memory_space<vmem>> -> memref<1x128xi32, #tpu.memory_space<vmem>>
          %dma_start3A_493 = tpu.memref_squeeze %dma_start3A_492 : memref<1x128xi32, #tpu.memory_space<vmem>> -> memref<128xi32, #tpu.memory_space<vmem>>
          %dma_start3A_494 = arith.constant 0 : i32
          %dma_start3A_495 = arith.constant 0 : i32
          %dma_start3A_496 = tpu.memref_slice %arg10[%dma_start3A_494, %dma_start3A_495] : memref<10000x32xf32, #tpu.memory_space<vmem_shared>> -> memref<10000x32xf32, #tpu.memory_space<vmem_shared>>
          tpu.enqueue_indirect_dma source(%dma_start3A_496 : memref<10000x32xf32, #tpu.memory_space<vmem_shared>>) target(%dma_start3A_490 : memref<128x32xf32, #tpu.memory_space<vmem>>) offsets(%dma_start3A_493 : memref<128xi32, #tpu.memory_space<vmem>>) semaphore(%arg19 : memref<!tpu.dma_semaphore, #tpu.memory_space<semaphore_mem>>)
        } else {
        }
      }
      %scan3A_111 = arith.constant 10 : i32
    } else {
    }
    %barrier3A_11 = arith.constant 0 : index
    tpu.barrier barrier_id(%barrier3A_11)
    "tpu.region"() ({
      %run_scoped3A = tpu.sem_alloc : memref<!tpu.dma_semaphore, #tpu.memory_space<semaphore_mem>>
      %dma_start3A = arith.constant 0 : i32
      %dma_start3A_12 = tpu.memref_slice %arg6[%arg0, %mul3A_2, %dma_start3A] : memref<2x10112x32xf32, #tpu.memory_space<hbm>> -> memref<1x632x32xf32, #tpu.memory_space<hbm>>
      %dma_start3A_13 = tpu.memref_squeeze %dma_start3A_12 : memref<1x632x32xf32, #tpu.memory_space<hbm>> -> memref<632x32xf32, #tpu.memory_space<hbm>>
      %dma_start3A_14 = arith.constant 0 : i32
      %dma_start3A_15 = tpu.memref_slice %arg11[%mul3A_2, %dma_start3A_14] : memref<10112x32xf32, #tpu.memory_space<vmem_shared>> -> memref<632x32xf32, #tpu.memory_space<vmem_shared>>
      tpu.enqueue_dma source(%dma_start3A_15 : memref<632x32xf32, #tpu.memory_space<vmem_shared>>) target(%dma_start3A_13 : memref<632x32xf32, #tpu.memory_space<hbm>>) target_semaphore(%run_scoped3A : memref<!tpu.dma_semaphore, #tpu.memory_space<semaphore_mem>>)
      %dma_wait3A = arith.constant 0 : i32
      %dma_wait3A_16 = tpu.memref_slice %arg6[%arg0, %mul3A_2, %dma_wait3A] : memref<2x10112x32xf32, #tpu.memory_space<hbm>> -> memref<1x632x32xf32, #tpu.memory_space<hbm>>
      %dma_wait3A_17 = tpu.memref_squeeze %dma_wait3A_16 : memref<1x632x32xf32, #tpu.memory_space<hbm>> -> memref<632x32xf32, #tpu.memory_space<hbm>>
      %dma_wait3A_18 = arith.constant 0 : i32
      %dma_wait3A_19 = tpu.memref_slice %arg11[%mul3A_2, %dma_wait3A_18] : memref<10112x32xf32, #tpu.memory_space<vmem_shared>> -> memref<632x32xf32, #tpu.memory_space<vmem_shared>>
      tpu.wait_dma2 semaphore(%run_scoped3A : memref<!tpu.dma_semaphore, #tpu.memory_space<semaphore_mem>>) src(%dma_wait3A_19 : memref<632x32xf32, #tpu.memory_space<vmem_shared>>) dst(%dma_wait3A_17 : memref<632x32xf32, #tpu.memory_space<hbm>>)
      tpu.yield
    }) : () -> ()
    return
  }
}

module attributes {stable_mosaic.version = 14 : i64} {
  func.func @_matmul_body(%arg0: memref<10000x128xf32, #tpu.memory_space<vmem>>, %arg1: memref<128x32xf32, #tpu.memory_space<vmem>>, %arg2: memref<10000x32xf32, #tpu.memory_space<vmem>>) attributes {dimension_semantics = [], scalar_prefetch = 0 : i64, scratch_operands = 0 : i64, tpu.core_type = #tpu.core_type<tc>} {
    %get3A = arith.constant 0 : index
    %get3A_0 = arith.constant 0 : index
    %get3A_1 = vector.load %arg0[%get3A, %get3A_0] : memref<10000x128xf32, #tpu.memory_space<vmem>>, vector<10000x128xf32>
    %get3A_2 = arith.constant 0 : index
    %get3A_3 = arith.constant 0 : index
    %get3A_4 = vector.load %arg1[%get3A_2, %get3A_3] : memref<128x32xf32, #tpu.memory_space<vmem>>, vector<128x32xf32>
    %dot_general3A = arith.constant dense<0.000000e+00> : vector<10000x32xf32>
    %dot_general3A_5 = tpu.matmul %get3A_1, %get3A_4, %dot_general3A {dimension_numbers = #tpu.dot_dimension_numbers<[1], [0], [0], [1], [0, 0, 1, 1], [], []>, transpose_lhs_hint = false} : vector<10000x128xf32>, vector<128x32xf32>, vector<10000x32xf32> -> vector<10000x32xf32>
    %swap3A = arith.constant 0 : index
    %swap3A_6 = arith.constant 0 : index
    %swap3A_7 = vector.load %arg2[%swap3A, %swap3A_6] : memref<10000x32xf32, #tpu.memory_space<vmem>>, vector<10000x32xf32>
    tpu.vector_store %arg2[%swap3A, %swap3A_6], %dot_general3A_5 {strides = array<i32>} : memref<10000x32xf32, #tpu.memory_space<vmem>>, vector<10000x32xf32>,
    return
  }
}

module attributes {stable_mosaic.version = 14 : i64} {
  func.func @_finish_body(%arg0: memref<10000x32xf32, #tpu.memory_space<vmem>>, %arg1: memref<10000x32xf32, #tpu.memory_space<vmem>>, %arg2: memref<10000x32xf32, #tpu.memory_space<vmem>>, %arg3: memref<1x32xf32, #tpu.memory_space<vmem>>, %arg4: memref<32x32xf32, #tpu.memory_space<vmem>>, %arg5: memref<1x32xf32, #tpu.memory_space<vmem>>, %arg6: memref<32x13xf32, #tpu.memory_space<vmem>>, %arg7: memref<1x13xf32, #tpu.memory_space<vmem>>, %arg8: memref<32x8xf32, #tpu.memory_space<vmem>>, %arg9: memref<1x8xf32, #tpu.memory_space<vmem>>, %arg10: memref<1x13xf32, #tpu.memory_space<vmem>>, %arg11: memref<1x8xf32, #tpu.memory_space<vmem>>, %arg12: memref<1x32xf32, #tpu.memory_space<vmem>>, %arg13: memref<10000x32xf32, #tpu.memory_space<vmem>>) attributes {dimension_semantics = [], scalar_prefetch = 0 : i64, scratch_operands = 0 : i64, tpu.core_type = #tpu.core_type<tc>} {
    %get3A = arith.constant 0 : index
    %get3A_0 = arith.constant 0 : index
    %get3A_1 = vector.load %arg0[%get3A, %get3A_0] : memref<10000x32xf32, #tpu.memory_space<vmem>>, vector<10000x32xf32>
    %get3A_2 = arith.constant 0 : index
    %get3A_3 = arith.constant 0 : index
    %get3A_4 = vector.load %arg1[%get3A_2, %get3A_3] : memref<10000x32xf32, #tpu.memory_space<vmem>>, vector<10000x32xf32>
    %add3A = arith.addf %get3A_1, %get3A_4 : vector<10000x32xf32>
    %get3A_5 = arith.constant 0 : index
    %get3A_6 = arith.constant 0 : index
    %get3A_7 = vector.load %arg2[%get3A_5, %get3A_6] : memref<10000x32xf32, #tpu.memory_space<vmem>>, vector<10000x32xf32>
    %add3A_8 = arith.addf %add3A, %get3A_7 : vector<10000x32xf32>
    %get3A_9 = arith.constant 0 : index
    %get3A_10 = arith.constant 0 : index
    %get3A_11 = vector.load %arg3[%get3A_9, %get3A_10] : memref<1x32xf32, #tpu.memory_space<vmem>>, vector<1x32xf32>
    %add3A_12 = vector.broadcast %get3A_11 : vector<1x32xf32> to vector<10000x32xf32>
    %add3A_13 = arith.addf %add3A_8, %add3A_12 : vector<10000x32xf32>
    %max3A = arith.constant 0.000000e+00 : f32
    %max3A_14 = vector.broadcast %max3A : f32 to vector<10000x32xf32>
    %max3A_15 = arith.maximumf %add3A_13, %max3A_14 : vector<10000x32xf32>
    %get3A_16 = arith.constant 0 : index
    %get3A_17 = arith.constant 0 : index
    %get3A_18 = vector.load %arg4[%get3A_16, %get3A_17] : memref<32x32xf32, #tpu.memory_space<vmem>>, vector<32x32xf32>
    %dot_general3A = arith.constant dense<0.000000e+00> : vector<10000x32xf32>
    %dot_general3A_19 = tpu.matmul %max3A_15, %get3A_18, %dot_general3A {dimension_numbers = #tpu.dot_dimension_numbers<[1], [0], [0], [1], [0, 0, 1, 1], [], []>, transpose_lhs_hint = false} : vector<10000x32xf32>, vector<32x32xf32>, vector<10000x32xf32> -> vector<10000x32xf32>
    %get3A_20 = arith.constant 0 : index
    %get3A_21 = arith.constant 0 : index
    %get3A_22 = vector.load %arg5[%get3A_20, %get3A_21] : memref<1x32xf32, #tpu.memory_space<vmem>>, vector<1x32xf32>
    %add3A_23 = vector.broadcast %get3A_22 : vector<1x32xf32> to vector<10000x32xf32>
    %add3A_24 = arith.addf %dot_general3A_19, %add3A_23 : vector<10000x32xf32>
    %max3A_25 = arith.constant 0.000000e+00 : f32
    %max3A_26 = vector.broadcast %max3A_25 : f32 to vector<10000x32xf32>
    %max3A_27 = arith.maximumf %add3A_24, %max3A_26 : vector<10000x32xf32>
    %swap3A = arith.constant 0 : index
    %swap3A_28 = arith.constant 0 : index
    %swap3A_29 = vector.load %arg13[%swap3A, %swap3A_28] : memref<10000x32xf32, #tpu.memory_space<vmem>>, vector<10000x32xf32>
    tpu.vector_store %arg13[%swap3A, %swap3A_28], %max3A_27 {strides = array<i32>} : memref<10000x32xf32, #tpu.memory_space<vmem>>, vector<10000x32xf32>,
    %reduce_sum3A = arith.constant dense<0.000000e+00> : vector<32xf32>
    %reduce_sum3A_30 = vector.multi_reduction <add>, %max3A_27, %reduce_sum3A [0] : vector<10000x32xf32> to vector<32xf32>
    %broadcast_in_dim3A = vector.shape_cast %reduce_sum3A_30 : vector<32xf32> to vector<1x32xf32>
    %swap3A_31 = arith.constant 0 : index
    %swap3A_32 = arith.constant 0 : index
    %swap3A_33 = vector.load %arg12[%swap3A_31, %swap3A_32] : memref<1x32xf32, #tpu.memory_space<vmem>>, vector<1x32xf32>
    tpu.vector_store %arg12[%swap3A_31, %swap3A_32], %broadcast_in_dim3A {strides = array<i32>} : memref<1x32xf32, #tpu.memory_space<vmem>>, vector<1x32xf32>,
    %get3A_34 = arith.constant 0 : index
    %get3A_35 = arith.constant 0 : index
    %get3A_36 = vector.load %arg6[%get3A_34, %get3A_35] : memref<32x13xf32, #tpu.memory_space<vmem>>, vector<32x13xf32>
    %dot_general3A_37 = arith.constant dense<0.000000e+00> : vector<1x13xf32>
    %dot_general3A_38 = tpu.matmul %broadcast_in_dim3A, %get3A_36, %dot_general3A_37 {dimension_numbers = #tpu.dot_dimension_numbers<[1], [0], [0], [1], [0, 0, 1, 1], [], []>, transpose_lhs_hint = false} : vector<1x32xf32>, vector<32x13xf32>, vector<1x13xf32> -> vector<1x13xf32>
    %get3A_39 = arith.constant 0 : index
    %get3A_40 = arith.constant 0 : index
    %get3A_41 = vector.load %arg7[%get3A_39, %get3A_40] : memref<1x13xf32, #tpu.memory_space<vmem>>, vector<1x13xf32>
    %add3A_42 = arith.addf %dot_general3A_38, %get3A_41 : vector<1x13xf32>
    %swap3A_43 = arith.constant 0 : index
    %swap3A_44 = arith.constant 0 : index
    %swap3A_45 = vector.load %arg10[%swap3A_43, %swap3A_44] : memref<1x13xf32, #tpu.memory_space<vmem>>, vector<1x13xf32>
    tpu.vector_store %arg10[%swap3A_43, %swap3A_44], %add3A_42 {strides = array<i32>} : memref<1x13xf32, #tpu.memory_space<vmem>>, vector<1x13xf32>,
    %get3A_46 = arith.constant 0 : index
    %get3A_47 = arith.constant 0 : index
    %get3A_48 = vector.load %arg8[%get3A_46, %get3A_47] : memref<32x8xf32, #tpu.memory_space<vmem>>, vector<32x8xf32>
    %dot_general3A_49 = arith.constant dense<0.000000e+00> : vector<1x8xf32>
    %dot_general3A_50 = tpu.matmul %broadcast_in_dim3A, %get3A_48, %dot_general3A_49 {dimension_numbers = #tpu.dot_dimension_numbers<[1], [0], [0], [1], [0, 0, 1, 1], [], []>, transpose_lhs_hint = false} : vector<1x32xf32>, vector<32x8xf32>, vector<1x8xf32> -> vector<1x8xf32>
    %get3A_51 = arith.constant 0 : index
    %get3A_52 = arith.constant 0 : index
    %get3A_53 = vector.load %arg9[%get3A_51, %get3A_52] : memref<1x8xf32, #tpu.memory_space<vmem>>, vector<1x8xf32>
    %add3A_54 = arith.addf %dot_general3A_50, %get3A_53 : vector<1x8xf32>
    %swap3A_55 = arith.constant 0 : index
    %swap3A_56 = arith.constant 0 : index
    %swap3A_57 = vector.load %arg11[%swap3A_55, %swap3A_56] : memref<1x8xf32, #tpu.memory_space<vmem>>, vector<1x8xf32>
    tpu.vector_store %arg11[%swap3A_55, %swap3A_56], %add3A_54 {strides = array<i32>} : memref<1x8xf32, #tpu.memory_space<vmem>>, vector<1x8xf32>,
    return
  }
}

</mosaic_0001>

<sc_bundles>
// kernel: kernel.5.cloned.1.call-start
scs
__scs_entry_jumppad:
0x0: {  	(pc) =	sbr.rel $0x88, $3  }
0x1: {  	(tag) =	ssettag $0x0;
	lr =	simm.s32 $0x1  }
0x2: {  	[smem:$0x3F97] =	sst lr;
	_ =	strace $0xD0000000  }
0x3: {  	_ = 	snop  }
0x4: {  	_ = 	snop  }
0x5: {  	_ = 	snop  }
0x6: {  	_ = 	snop  }
0x7: {  	_ = 	snop  }
__scs_overlays_trampoline_lowered:
0x8: {  	[smem:$0x3FA6] =	sst s0  }
0x9: {  	[smem:$0x3FA7] =	sst s1  }
0xa: {  	[smem:$0x3FA8] =	sst s2  }
0xb: {  	[smem:$0x3FA9] =	sst s3  }
0xc: {  	[smem:$0x3FAA] =	sst s4  }
0xd: {  	[smem:$0x3FAB] =	sst s5  }
0xe: {  	[smem:$0x3FAC] =	sst s6  }
0xf: {  	[smem:$0x3FAD] =	sst s7  }
0x10: {  	[smem:$0x3FAE] =	sst s8  }
0x11: {  	[smem:$0x3FAF] =	sst s9;
	s0 =	simm.s32 @!p0 $0x0  }
0x12: {  	s1 =	sld [smem:$0x3F95];
	s0 =	simm.s32 @p0 $0x1  }
0x13: {  	[smem:$0x3FB0] =	sst s0;
	s0 =	simm.s32 @!p1 $0x0  }
0x14: {  	s2 =	sld [smem:$0x3F94];
	s0 =	simm.s32 @p1 $0x1  }
0x15: {  	[smem:$0x3FB1] =	sst s0;
	s0 =	simm.s32 @!p2 $0x0  }
0x16: {  	s3 =	sld [smem:$0x3FDB];
	s0 =	simm.s32 @p2 $0x1  }
0x17: {  	s4 =	simm.s32 $0x1BF5;
	[smem:$0x3FB3] =	sst s0  }
0x18: {  	s0 =	sld [smem:$0x3F96];
	_ =	swait.ge [sflag:s4], $0x0  }
0x19: {  	s7 =	sld [smem:$0x3F97]  }
0x1a: {  	s8 =	sadd.s32 $0xFFFFE003, lr  }
0x1b: {  	s9 =	sadd.s32 $0xFFFFFEF7, lr;
	s5 =	simm.s32 $0xFFFFFFFF;
	p2 =	slt.u32 s8, $0xFFFFF086  }
0x1c: {  	p1 =	slt.u32 s9, $0xF7A;
	s5 =	simm.s32 @!p2 $0x0  }
0x1d: {  	s5 =	simm.s32 @p1 $0x1;
	p0 =	seq.s32 s7, s2  }
0x1e: {  	s7 =	smul.u32 @!p0 $0xF7A, s2;
	p2 =	seq.s32 @!p0 s5, $0x0  }
0x1f: {  	s9 =	smul.u32 $0xF7A, s1;
	s8 =	simm.s32 @!p0 $0x1BF5;
	p2 =	por !p2, p0  }
0x20: {  	[sflag:s8] =	ssyncset.s32 @!p0 $0xFFFFF086;
	s6 =	sadd.s32 @!p0 s3, s7;
	s7 =	simm.s32 @!p0 $0x108  }
0x21: {  	s3 =	sadd.s32 s3, s9;
	s6 =	sadd.s32 @!p0 $0x88, s6;
	s7 =	simm.s32 @p2 $0x1082  }
0x22: {  	[simem:s7], [sflag:s8] =	dma.local @!p0 [hbm:s6], $0xF7A  }
0x23: {  	s9 =	sor.u32 $0xD0000000, s2;
	s6 =	simm.s32 $0x108;
	_ =	swait.ge @!p0 [sflag:s8], $0x0  }
0x24: {  	s3 =	sadd.s32 $0x88, s3;
	s6 =	simm.s32 @!p1 $0x1082;
	[sflag:s4] =	ssyncset.s32 $0xFFFFF086  }
0x25: {  	[simem:s6], [sflag:s4] =	dma.local [hbm:s3], $0xF7A  }
0x26: {  	[smem:$0x3F97] =	sst s1;
	(tag) =	ssettag s2;
	_ =	strace s9  }
0x27: {  	s1 =	sld [smem:$0x3FA7]  }
0x28: {  	s2 =	sld [smem:$0x3FA8]  }
0x29: {  	s4 =	sld [smem:$0x3FAA]  }
0x2a: {  	p0 =	seq.s32 s5, $0x0;
	s5 =	sld [smem:$0x3FAB]  }
0x2b: {  	s6 =	sld [smem:$0x3FAC]  }
0x2c: {  	s7 =	sld [smem:$0x3FAD]  }
0x2d: {  	s3 =	simm.s32 $0x108;
	s8 =	sld [smem:$0x3FAE]  }
0x2e: {  	s3 =	simm.s32 @!p0 $0x1082;
	s9 =	sld [smem:$0x3FAF]  }
0x2f: {  	lr =	sadd.s32 s0, s3;
	s0 =	sld [smem:$0x3FA6]  }
0x30: {  	s3 =	sld [smem:$0x3FA9]  }
0x31: {  	[smem:$0x3FB2] =	sst s10  }
0x32: {  	s10 =	sld [smem:$0x3FB0];
	_ =	sdelay $0x3  }
0x33: {  	p0 =	seq.s32 s10, $0x1;
	s10 =	sld [smem:$0x3FB2];
	_ =	sdelay $0x3  }
0x34: {  	[smem:$0x3FB2] =	sst s10  }
0x35: {  	s10 =	sld [smem:$0x3FB1];
	_ =	sdelay $0x3  }
0x36: {  	p1 =	seq.s32 s10, $0x1;
	s10 =	sld [smem:$0x3FB2];
	_ =	sdelay $0x3  }
0x37: {  	[smem:$0x3FB2] =	sst s10  }
0x38: {  	s10 =	sld [smem:$0x3FB3]  }
0x39: {  	_ = 	snop;
	(pc) =	sbr.ind lr, $3  }
0x3a: {  	_ = 	snop  }
0x3b: {  	_ = 	snop  }
0x3c: {  	p2 =	seq.s32 s10, $0x1;
	s10 =	sld [smem:$0x3FB2]  }
0x3d: {  	_ =	shalt  }
0x3e: {  	_ =	shalt  }
0x3f: {  	_ =	shalt  }
0x40: {  	_ =	shalt  }
0x41: {  	_ =	shalt  }
0x42: {  	_ =	shalt  }
0x43: {  	_ =	shalt  }
0x44: {  	_ =	shalt  }
0x45: {  	_ =	shalt  }
0x46: {  	_ =	shalt  }
0x47: {  	_ =	shalt  }
0x48: {  	_ =	shalt  }
0x49: {  	_ =	shalt  }
0x4a: {  	_ =	shalt  }
0x4b: {  	_ =	shalt  }
0x4c: {  	_ =	shalt  }
0x4d: {  	_ =	shalt  }
0x4e: {  	_ =	shalt  }
0x4f: {  	_ =	shalt  }
0x50: {  	_ =	shalt  }
0x51: {  	_ =	shalt  }
0x52: {  	_ =	shalt  }
0x53: {  	_ =	shalt  }
0x54: {  	_ =	shalt  }
0x55: {  	_ =	shalt  }
0x56: {  	_ =	shalt  }
0x57: {  	_ =	shalt  }
0x58: {  	_ =	shalt  }
0x59: {  	_ =	shalt  }
0x5a: {  	_ =	shalt  }
0x5b: {  	_ =	shalt  }
0x5c: {  	_ =	shalt  }
0x5d: {  	_ =	shalt  }
0x5e: {  	_ =	shalt  }
0x5f: {  	_ =	shalt  }
0x60: {  	_ =	shalt  }
0x61: {  	_ =	shalt  }
0x62: {  	_ =	shalt  }
0x63: {  	_ =	shalt  }
0x64: {  	_ =	shalt  }
0x65: {  	_ =	shalt  }
0x66: {  	_ =	shalt  }
0x67: {  	_ =	shalt  }
0x68: {  	_ =	shalt  }
0x69: {  	_ =	shalt  }
0x6a: {  	_ =	shalt  }
0x6b: {  	_ =	shalt  }
0x6c: {  	_ =	shalt  }
0x6d: {  	_ =	shalt  }
0x6e: {  	_ =	shalt  }
0x6f: {  	_ =	shalt  }
0x70: {  	_ =	shalt  }
0x71: {  	_ =	shalt  }
0x72: {  	_ =	shalt  }
0x73: {  	_ =	shalt  }
0x74: {  	_ =	shalt  }
0x75: {  	_ =	shalt  }
0x76: {  	_ =	shalt  }
0x77: {  	_ =	shalt  }
0x78: {  	_ =	shalt  }
0x79: {  	_ =	shalt  }
0x7a: {  	_ =	shalt  }
0x7b: {  	_ =	shalt  }
0x7c: {  	_ =	shalt  }
0x7d: {  	_ =	shalt  }
0x7e: {  	_ =	shalt  }
0x7f: {  	_ =	shalt  }
0x80: {  	_ =	shalt  }
0x81: {  	_ =	shalt  }
0x82: {  	_ =	shalt  }
0x83: {  	_ =	shalt  }
0x84: {  	_ =	shalt  }
0x85: {  	_ =	shalt  }
0x86: {  	_ =	shalt  }
0x87: {  	_ =	shalt  }
.Lfunc_end0:
.L_simem_size_0:
called_computation_lowered:
.L_overlay_start_0:
0x88: {  	s2 =	sld [smem:$0x3FD9]  }
0x89: {  	s3 =	sld [smem:$0x3FFE];
	_ =	sdelay $0x1  }
0x8a: {  	s1 =	srdreg.scid  }
0x8b: {  	s0 =	sand.u32 $0x1, s1  }
0x8c: {  	s14 =	sshll.u32 s0, $0xA;
	s2 =	sadd.s32 s3, s2  }
0x8d: {  	s2 =	sadd.s32 s2, s14  }
0x8e: {  	[smem:$0x3FBE] =	sst s2  }
0x8f: {  	_ = 	snop  }
0x90: {  	s2 =	sld [smem:$0x3FD0];
	_ =	sdelay $0x2  }
0x91: {  	s15 =	simm.s32 $0xA;
	s4 =	simm.s32 $0x10  }
0x92: {  	[smem:s4], [sflag:s15] =	dma.local [hbm:s2], $0x1  }
0x93: {  	_ =	swait.eq [sflag:s15], $0x1  }
0x94: {  	[sflag:s15] =	ssyncset.done $0x0  }
0x95: {  	[sflag:s15] =	ssyncadd.s32 $0xFFFFFFFF  }
0x96: {  	s16 =	sld [smem:$0x13];
	(tm) =	ssettm $0x1  }
0x97: {  	s17 =	sld [smem:$0x3FFB];
	_ =	sdelay $0x3  }
0x98: {  	_ =	strace s17  }
0x99: {  	s3 =	sld [smem:$0x3FFC];
	_ =	sdelay $0x3  }
0x9a: {  	_ =	strace s3  }
0x9b: {  	s3 =	sld [smem:$0x3FFD];
	_ =	sdelay $0x3  }
0x9c: {  	_ =	strace s3  }
0x9d: {  	_ =	strace $0x8FFFFFFF  }
0x9e: {  	s18 =	sld [smem:$0x3FDB];
	_ =	sdelay $0x1  }
0x9f: {  	s19 =	simm.s32 $_scs_section_size  }
0xa0: {  	s5 =	simm.s32 $_size__tile_overlayer_lowered;
	s6 =	simm.s32 $_tile_overlayer_lowered  }
0xa1: {  	s22 =	simm.s32 $0x1BFF;
	s21 =	sshll.u32 s6, $0x1;
	s3 =	sadd.s32 s19, s18  }
0xa2: {  	s7 =	simm.s32 $0x0;
	s20 =	sshll.u32 s5, $0x1;
	s5 =	sadd.s32 s21, s3  }
0xa3: {  	[timem:s7], [sflag:s22] =	dma.local [hbm:s5], s20  }
0xa4: {  	_ =	swait.ge [sflag:s22], s20  }
0xa5: {  	s4 =	ssub.s32 $0x0, s20;
	[sflag:s22] =	ssyncset.done $0x0  }
0xa6: {  	[sflag:s22] =	ssyncadd.s32 s4;
	_ =	sdelay $0x1  }
0xa7: {  	s23 =	simm.s32 $0x1B8B  }
0xa8: {  	_ =	swait.ge [sflag:s23], $0x1  }
0xa9: {  	[sflag:s23] =	ssyncset.done $0x0  }
0xaa: {  	s25 =	simm.s32 $0x1B8E;
	s24 =	sld [smem:$0x3FFE];
	[sflag:s23] =	ssyncadd.s32 $0xFFFFFFFF  }
0xab: {  	s26 =	simm.s32 $execute0_lowered;
	[smem:$0x3FD2] =	sst s25  }
0xac: {  	s5 =	sshll.u32 s26, $0x1;
	_ =	strace $0x80000046;
	[dreg:$0x1] =	wrdreg $0xFFFFFFFF  }
0xad: {  	s28 =	simm.s32 $_size_execute0_lowered;
	s3 =	sadd.s32 s3, s5;
	[dreg:$0x0] =	wrdreg $0x0  }
0xae: {  	s5 =	sshll.u32 s28, $0x1;
	[dreg:$0x2] =	wrdreg s3  }
0xaf: {  	[dreg:$0x3] =	wrdreg s5  }
0xb0: {  	[dreg:$0x4] =	wrdreg $0xC0  }
0xb1: {  	_ =	task [dreg:s7], $0x5FFFF  }
0xb2: {  	[dreg:$0x1] =	wrdreg $0xFFFFFFFF  }
0xb3: {  	[dreg:$0x0] =	wrdreg $0x60  }
0xb4: {  	[dreg:$0x2] =	wrdreg s24  }
0xb5: {  	[dreg:$0x3] =	wrdreg s16  }
0xb6: {  	[dreg:$0x4] =	wrdreg $0x11E200  }
0xb7: {  	[dreg:$0x5] =	wrdreg $0xD0000  }
0xb8: {  	[dreg:$0x6] =	wrdreg $0x9  }
0xb9: {  	_ =	task.clear_ibuf [dreg:s7], $0x7FFFF;
	_ =	strace $0x90000046  }
0xba: {  	s29 =	simm.s32 $0x9;
	_ =	strace $0x80000048  }
0xbb: {  	_ =	swait.ge [sflag:s29], $0x1  }
0xbc: {  	[sflag:s29] =	ssyncadd.s32 $0xFFFFFFFF  }
0xbd: {  	_ =	strace $0x90000048  }
0xbe: {  	_ =	sfence  }
0xbf: {  	s30 =	sld [smem:$0x0];
	_ =	sdelay $0x2  }
0xc0: {  	s31 =	sshll.u32 s1, $0xD;
	s1 =	sshrl.u32 s1, $0x2  }
0xc1: {  	s3 =	sand.u32 $0x4000, s31;
	s1 =	sadd.s32 s1, s30  }
0xc2: {  	s0 =	sor.u32 s3, s0;
	s1 =	sshll.u32 s1, $0x11  }
0xc3: {  	s0 =	sor.u32 s1, s0  }
0xc4: {  	s0 =	sadd.s32 $0x8F2B, s0  }
0xc5: {  	[sflag:s0] =	ssyncadd.remote.s32 $0x1  }
0xc6: {  	_ =	sfence.sel $0xFFFF  }
0xc7: {  	[dreg:$0x0] =	wrdreg $0xFFFFFFFF;
	(pc) =	sbr.abs _section_cstart, $3  }
0xc8: {  	[dreg:$0x1] =	wrdreg $0xFFFFFFFF  }
0xc9: {  	_ =	task.clear_ibuf [dreg:s7], $0x2FFFF;
	_ =	strace $0x9FFFFFFF  }
0xca: {  	(tm) =	ssettm $0x7FFFFFFF  }
0xcb: {  	_ =	shalt  }
tec
execute0_lowered:
.L_overlay_start_1:
0x0: {  	(tag) =	ssettag $0x1  }
0x1: {  	s0 =	rddreg [dreg:$0x0]  }
0x2: {  	s1 =	rddreg [dreg:$0x1]  }
0x3: {  	s2 =	rddreg [dreg:$0x2]  }
0x4: {  	s3 =	rddreg [dreg:$0x3];
	s4 =	srdreg.scid  }
0x5: {  	s10 =	stileid.u32;
	s8 =	simm.s32 $0x0;
	s28 =	simm.s32 $0xA000  }
0x6: {  	s30 =	simm.s32 $0xB000;
	s16 =	simm.s32 $0x2;
	s29 =	simm.s32 $0x7  }
0x7: {  	s31 =	simm.s32 $0x8;
	s11 =	simm.s32 $0xE;
	s12 =	simm.s32 $0xF  }
0x8: {  	s15 =	simm.s32 $0x10;
	s14 =	simm.s32 $0x0;
	s6 =	smul.u32 $0x4F00, s10  }
0x9: {  	s4 =	sand.u32 $0x1, s4;
	[smem:$0x7FF] =	sst s8;
	s9 =	smul.u32 $0x4E20, s10  }
0xa: {  	s20 =	sshll.u32 s10, $0x6;
	p0 =	sgt.u32 s10, $0x4;
	s5 =	sshll.u32 s4, $0x4  }
0xb: {  	s7 =	smul.u32 $0x4F000, s4;
	_ =	strace $0x80000047;
	s4 =	ssub.s32 $0x2, s4  }
0xc: {  	s5 =	sor.u32 s10, s5;
	s18 =	sshrl.u32 s4, $0x1;
	s19 =	sshrl.u32 s6, $0x3  }
0xd: {  	s21 =	sadd.s32 s9, s3;
	s22 =	sshrl.u32 s9, $0x3;
	s9 =	simm.s32 $0xC  }
0xe: {  	s10 =	simm.s32 $0xD;
	s17 =	smul.u32 $0x500, s5;
	s7 =	sadd.s32 s6, s7  }
0xf: {  	s5 =	sadd.s32 $0x1200, s0;
	s4 =	ssub.s32 s4, s18;
	s6 =	sadd.s32 s6, s2  }
0x10: {  	s1 =	sadd.s32 s1, s19;
	s26 =	sshrl.u32 s21, $0x3;
	s19 =	simm.s32 $0x6000  }
0x11: {  	s21 =	simm.s32 $0x7000;
	s7 =	sshrl.u32 s7, $0x3;
	[dreg:$0x5] =	wrdreg s1  }
0x12: {  	s1 =	sor.u32 $0x1C11, s20;
	s25 =	smax.u32 s4, $0x1;
	s13 =	sshrl.u32 s6, $0x3  }
0x13: {  	[dreg:$0xd] =	wrdreg s26;
	s20 =	simm.s32 $0x3;
	s26 =	simm.s32 $0x6  }
0x14: {  	s4 =	simm.s32 $0x9;
	s6 =	simm.s32 $0xA;
	[dreg:$0x6] =	wrdreg s1  }
0x15: {  	s8 =	sadd.s32 s17, s0;
	s0 =	sadd.s32 s7, s0;
	[dreg:$0xb] =	wrdreg s25  }
0x16: {  	s7 =	sadd.s32 s5, s22;
	s17 =	simm.s32 $0x80;
	[dreg:$0xc] =	wrdreg s13  }
.Ltmp0:
0x17: {  	[dreg:$0x7] =	wrdreg s7;
	s23 =	sadd.s32 $0x15000, s8;
	(pc) =	sbr.rel .LBB2_1-.Ltmp0, $4  }
0x18: {  	s25 =	simm.s32 $0x9000;
	s24 =	sadd.s32 $0xB000, s8;
	[dreg:$0x8] =	wrdreg s23  }
0x19: {  	s1 =	simm.s32 $0x1;
	s0 =	sadd.s32 $0x1F000, s0;
	[dreg:$0x9] =	wrdreg s24  }
0x1a: {  	s22 =	simm.s32 $0x4;
	s8 =	simm.s32 $0xB;
	[dreg:$0xa] =	wrdreg s0  }
0x1b: {  	s23 =	simm.s32 $0x8000;
	s0 =	simm.s32 $0xC000;
	s24 =	simm.s32 $0x5  }
.LBB2_8:
0x1c: {  	_ =	swait.ge [sflag:s6], $0x1000  }
0x1d: {  	[sflag:s6] =	ssyncset.done $0x0  }
0x1e: {  	[sflag:s6] =	ssyncadd.s32 $0xFFFFF000  }
0x1f: {  	_ =	swait.ge [sflag:s8], $0x1000  }
0x20: {  	[sflag:s8] =	ssyncset.done $0x0  }
0x21: {  	[sflag:s8] =	ssyncadd.s32 $0xFFFFF000  }
0x22: {  	_ =	swait.ge [sflag:s9], $0x1000  }
0x23: {  	[sflag:s9] =	ssyncset.done $0x0  }
0x24: {  	[sflag:s9] =	ssyncadd.s32 $0xFFFFF000  }
0x25: {  	_ =	swait.ge [sflag:s10], $0x1000  }
0x26: {  	[sflag:s10] =	ssyncset.done $0x0  }
0x27: {  	[sflag:s10] =	ssyncadd.s32 $0xFFFFF000  }
0x28: {  	_ =	swait.ge [sflag:s11], $0x1000  }
0x29: {  	[sflag:s11] =	ssyncset.done $0x0  }
0x2a: {  	[sflag:s11] =	ssyncadd.s32 $0xFFFFF000  }
0x2b: {  	_ =	swait.ge [sflag:s12], $0x1000  }
0x2c: {  	[sflag:s12] =	ssyncset.done $0x0  }
0x2d: {  	[sflag:s12] =	ssyncadd.s32 $0xFFFFF000  }
0x2e: {  	_ =	swait.ge [sflag:s15], $0x1000  }
0x2f: {  	[sflag:s15] =	ssyncset.done $0x0  }
0x30: {  	[sflag:s15] =	ssyncadd.s32 $0xFFFFF000  }
0x31: {  	[bflag:$0x0] =	sbarrier.arrive $0xFFFF  }
0x32: {  	s14 =	rddreg [dreg:$0x6]  }
0x33: {  	s7 =	rddreg [dreg:$0xa]  }
0x34: {  	s13 =	rddreg [dreg:$0xc]  }
0x35: {  	[hbm:s7], [sflag:s14] =	dma.local [spmem:s13], $0x9E0  }
0x36: {  	s7 =	simm.s32 $0x11  }
0x37: {  	_ =	swait.ge [sflag:s7], $0x9E0  }
0x38: {  	s18 =	rddreg [dreg:$0xe]  }
0x39: {  	s14 =	sadd.s32 $0x1, s18;
	s18 =	rddreg [dreg:$0xb]  }
0x3a: {  	p1 =	sne.s32 s14, s18  }
.Ltmp1:
0x3b: {  	_ = 	snop;
	(pc) =	sbr.rel @!p1 .LBB2_9-.Ltmp1, $3  }
0x3c: {  	_ =	sdelay $0x1  }
0x3d: {  	[sflag:s7] =	ssyncset.done $0x0;
	s18 =	simm.s32 $0x11  }
0x3e: {  	[sflag:s18] =	ssyncadd.s32 $0xFFFFF620  }
.LBB2_1:
0x3f: {  	[dreg:$0xe] =	wrdreg s14  }
0x40: {  	s7 =	rddreg [dreg:$0x5]  }
0x41: {  	s14 =	simm.s32 $0x11;
	s18 =	rddreg [dreg:$0x6]  }
0x42: {  	[spmem:s13], [sflag:s18] =	dma.local [hbm:s7], $0x9E0  }
0x43: {  	_ =	swait.ge [sflag:s14], $0x9E0  }
0x44: {  	[sflag:s14] =	ssyncset.done $0x0;
	s7 =	rddreg [dreg:$0x7]  }
0x45: {  	s13 =	rddreg [dreg:$0xd];
	[sflag:s14] =	ssyncadd.s32 $0xFFFFF620  }
0x46: {  	[spmem:s13], [sflag:s18] =	dma.local [hbm:s7], $0x9C4  }
0x47: {  	_ =	swait.ge [sflag:s14], $0x9C4  }
0x48: {  	[sflag:s14] =	ssyncset.done $0x0  }
0x49: {  	s18 =	simm.s32 $0x0;
	s7 =	rddreg [dreg:$0x8];
	[sflag:s14] =	ssyncadd.s32 $0xFFFFF63C  }
0x4a: {  	[tilespmem:s18], [sflag:$0x11] =	stream.linear.gather [hbm4b:s7+s18], $0x2800, $0x38;
	[tilespmem:$0x16D20] =	vst v63  }
0x4b: {  	_ =	swait.ge [sflag:s14], $0x2800  }
0x4c: {  	[sflag:s14] =	ssyncset.done $0x0  }
0x4d: {  	s7 =	simm.s32 $0x2800;
	s13 =	rddreg [dreg:$0x9];
	[sflag:s14] =	ssyncadd.s32 $0xFFFFD800  }
0x4e: {  	[tilespmem:s7], [sflag:$0x11] =	stream.linear.gather [hbm4b:s13+s18], $0x2800, $0x38;
	[tilespmem:$0x16D20] =	vst v63  }
.Ltmp2:
0x4f: {  	_ =	swait.ge [sflag:s14], $0x2800;
	(pc) =	sbr.rel @p0 .LBB2_5-.Ltmp2, $4  }
0x50: {  	[sflag:s14] =	ssyncset.done $0x0  }
0x51: {  	[sflag:s14] =	ssyncadd.s32 $0xFFFFD800  }
0x52: {  	[bflag:$0x0] =	sbarrier.arrive $0xFFFF  }
0x53: {  	s7 =	simm.s32 $0x0;
	s18 =	simm.s32 $0x5000  }
0x54: {  	[tilespmem:s18], [sflag:$0x1] =	stream.indirect.gather [hbm4b:s5+s17], $0x20, s7, s17, $0xb8;
	[tilespmem:$0x16D20] =	vst v63  }
0x55: {  	_ = 	snop  }
0x56: {  	[tilespmem:s19], [sflag:$0x2] =	stream.indirect.gather [hbm4b:s5+s17], $0x20, s17, s17, $0xb8;
	[tilespmem:$0x16D20] =	vst v63  }
0x57: {  	s13 =	simm.s32 $0x100  }
0x58: {  	[tilespmem:s21], [sflag:$0x3] =	stream.indirect.gather [hbm4b:s5+s17], $0x20, s13, s17, $0xb8;
	[tilespmem:$0x16D20] =	vst v63  }
0x59: {  	s14 =	simm.s32 $0x180  }
0x5a: {  	[tilespmem:s23], [sflag:$0x4] =	stream.indirect.gather [hbm4b:s5+s17], $0x20, s14, s17, $0xb8;
	[tilespmem:$0x16D20] =	vst v63  }
0x5b: {  	s14 =	simm.s32 $0x200  }
0x5c: {  	[tilespmem:s25], [sflag:$0x5] =	stream.indirect.gather [hbm4b:s5+s17], $0x20, s14, s17, $0xb8;
	[tilespmem:$0x16D20] =	vst v63  }
0x5d: {  	s14 =	simm.s32 $0x280  }
0x5e: {  	[tilespmem:s28], [sflag:$0x6] =	stream.indirect.gather [hbm4b:s5+s17], $0x20, s14, s17, $0xb8;
	[tilespmem:$0x16D20] =	vst v63  }
0x5f: {  	s14 =	simm.s32 $0x300  }
0x60: {  	[tilespmem:s30], [sflag:$0x7] =	stream.indirect.gather [hbm4b:s5+s17], $0x20, s14, s17, $0xb8;
	[tilespmem:$0x16D20] =	vst v63  }
0x61: {  	s14 =	simm.s32 $0x380  }
0x62: {  	[tilespmem:s0], [sflag:$0x8] =	stream.indirect.gather [hbm4b:s5+s17], $0x20, s14, s17, $0xb8;
	[tilespmem:$0x16D20] =	vst v63  }
.LBB2_3:
0x63: {  	_ =	swait.ge [sflag:s1], $0x1000  }
0x64: {  	s14 =	sshra.s32 s7, $0x2;
	[sflag:s1] =	ssyncset.done $0x0  }
0x65: {  	s13 =	sadd.s32 $0x2800, s14;
	[sflag:s1] =	ssyncadd.s32 $0xFFFFF000  }
0x66: {  	[spmem:s2] =	stream.indirect.scatter.add.f32 [tilespmem:s18], [sflag:$0x9], $0x20, s13, s17, $0xb8;
	[tilespmem:$0x16D20] =	vst v63  }
0x67: {  	_ =	swait.ge [sflag:s16], $0x1000  }
0x68: {  	[sflag:s16] =	ssyncset.done $0x0  }
0x69: {  	s13 =	sadd.s32 $0x2880, s14;
	[sflag:s16] =	ssyncadd.s32 $0xFFFFF000  }
0x6a: {  	[spmem:s2] =	stream.indirect.scatter.add.f32 [tilespmem:s19], [sflag:$0xA], $0x20, s13, s17, $0xb8;
	[tilespmem:$0x16D20] =	vst v63  }
0x6b: {  	_ =	swait.ge [sflag:s20], $0x1000  }
0x6c: {  	[sflag:s20] =	ssyncset.done $0x0  }
0x6d: {  	s13 =	sadd.s32 $0x2900, s14;
	[sflag:s20] =	ssyncadd.s32 $0xFFFFF000  }
0x6e: {  	[spmem:s2] =	stream.indirect.scatter.add.f32 [tilespmem:s21], [sflag:$0xB], $0x20, s13, s17, $0xb8;
	[tilespmem:$0x16D20] =	vst v63  }
0x6f: {  	_ =	swait.ge [sflag:s22], $0x1000  }
0x70: {  	[sflag:s22] =	ssyncset.done $0x0  }
0x71: {  	s13 =	sadd.s32 $0x2980, s14;
	[sflag:s22] =	ssyncadd.s32 $0xFFFFF000  }
0x72: {  	[spmem:s2] =	stream.indirect.scatter.add.f32 [tilespmem:s23], [sflag:$0xC], $0x20, s13, s17, $0xb8;
	[tilespmem:$0x16D20] =	vst v63  }
0x73: {  	_ =	swait.ge [sflag:s24], $0x1000  }
0x74: {  	[sflag:s24] =	ssyncset.done $0x0  }
0x75: {  	s13 =	sadd.s32 $0x2A00, s14;
	[sflag:s24] =	ssyncadd.s32 $0xFFFFF000  }
0x76: {  	[spmem:s2] =	stream.indirect.scatter.add.f32 [tilespmem:s25], [sflag:$0xD], $0x20, s13, s17, $0xb8;
	[tilespmem:$0x16D20] =	vst v63  }
0x77: {  	_ =	swait.ge [sflag:s26], $0x1000  }
0x78: {  	[sflag:s26] =	ssyncset.done $0x0  }
0x79: {  	s13 =	sadd.s32 $0x2A80, s14;
	[sflag:s26] =	ssyncadd.s32 $0xFFFFF000  }
0x7a: {  	[spmem:s2] =	stream.indirect.scatter.add.f32 [tilespmem:s28], [sflag:$0xE], $0x20, s13, s17, $0xb8;
	[tilespmem:$0x16D20] =	vst v63  }
0x7b: {  	_ =	swait.ge [sflag:s29], $0x1000  }
0x7c: {  	[sflag:s29] =	ssyncset.done $0x0  }
0x7d: {  	s13 =	sadd.s32 $0x2B00, s14;
	[sflag:s29] =	ssyncadd.s32 $0xFFFFF000  }
0x7e: {  	[spmem:s2] =	stream.indirect.scatter.add.f32 [tilespmem:s30], [sflag:$0xF], $0x20, s13, s17, $0xb8;
	[tilespmem:$0x16D20] =	vst v63  }
0x7f: {  	_ =	swait.ge [sflag:s31], $0x1000  }
0x80: {  	p1 =	seq.s32 s7, $0x9000;
	[sflag:s31] =	ssyncset.done $0x0  }
.Ltmp3:
0x81: {  	s13 =	sadd.s32 $0x2B80, s14;
	[sflag:s31] =	ssyncadd.s32 $0xFFFFF000;
	(pc) =	sbr.rel @p1 .LBB2_8-.Ltmp3, $4  }
0x82: {  	[spmem:s2] =	stream.indirect.scatter.add.f32 [tilespmem:s0], [sflag:$0x10], $0x20, s13, s17, $0xb8;
	[tilespmem:$0x16D20] =	vst v63  }
0x83: {  	_ =	swait.ge [sflag:s4], $0x1000  }
0x84: {  	[sflag:s4] =	ssyncset.done $0x0  }
0x85: {  	[sflag:s4] =	ssyncadd.s32 $0xFFFFF000  }
0x86: {  	s13 =	sadd.s32 $0x400, s14  }
0x87: {  	[tilespmem:s18], [sflag:$0x1] =	stream.indirect.gather [hbm4b:s5+s17], $0x20, s13, s17, $0xb8;
	[tilespmem:$0x16D20] =	vst v63  }
0x88: {  	_ =	swait.ge [sflag:s6], $0x1000  }
0x89: {  	[sflag:s6] =	ssyncset.done $0x0  }
0x8a: {  	s13 =	sadd.s32 $0x480, s14;
	[sflag:s6] =	ssyncadd.s32 $0xFFFFF000  }
0x8b: {  	[tilespmem:s19], [sflag:$0x2] =	stream.indirect.gather [hbm4b:s5+s17], $0x20, s13, s17, $0xb8;
	[tilespmem:$0x16D20] =	vst v63  }
0x8c: {  	_ =	swait.ge [sflag:s8], $0x1000  }
0x8d: {  	[sflag:s8] =	ssyncset.done $0x0  }
0x8e: {  	s13 =	sadd.s32 $0x500, s14;
	[sflag:s8] =	ssyncadd.s32 $0xFFFFF000  }
0x8f: {  	[tilespmem:s21], [sflag:$0x3] =	stream.indirect.gather [hbm4b:s5+s17], $0x20, s13, s17, $0xb8;
	[tilespmem:$0x16D20] =	vst v63  }
0x90: {  	_ =	swait.ge [sflag:s9], $0x1000  }
0x91: {  	[sflag:s9] =	ssyncset.done $0x0  }
0x92: {  	s13 =	sadd.s32 $0x580, s14;
	[sflag:s9] =	ssyncadd.s32 $0xFFFFF000  }
0x93: {  	[tilespmem:s23], [sflag:$0x4] =	stream.indirect.gather [hbm4b:s5+s17], $0x20, s13, s17, $0xb8;
	[tilespmem:$0x16D20] =	vst v63  }
0x94: {  	_ =	swait.ge [sflag:s10], $0x1000  }
0x95: {  	[sflag:s10] =	ssyncset.done $0x0  }
0x96: {  	s13 =	sadd.s32 $0x600, s14;
	[sflag:s10] =	ssyncadd.s32 $0xFFFFF000  }
0x97: {  	[tilespmem:s25], [sflag:$0x5] =	stream.indirect.gather [hbm4b:s5+s17], $0x20, s13, s17, $0xb8;
	[tilespmem:$0x16D20] =	vst v63  }
0x98: {  	_ =	swait.ge [sflag:s11], $0x1000  }
0x99: {  	[sflag:s11] =	ssyncset.done $0x0  }
0x9a: {  	s13 =	sadd.s32 $0x680, s14;
	[sflag:s11] =	ssyncadd.s32 $0xFFFFF000  }
0x9b: {  	[tilespmem:s28], [sflag:$0x6] =	stream.indirect.gather [hbm4b:s5+s17], $0x20, s13, s17, $0xb8;
	[tilespmem:$0x16D20] =	vst v63  }
0x9c: {  	_ =	swait.ge [sflag:s12], $0x1000  }
0x9d: {  	[sflag:s12] =	ssyncset.done $0x0  }
0x9e: {  	s13 =	sadd.s32 $0x700, s14;
	[sflag:s12] =	ssyncadd.s32 $0xFFFFF000  }
0x9f: {  	[tilespmem:s30], [sflag:$0x7] =	stream.indirect.gather [hbm4b:s5+s17], $0x20, s13, s17, $0xb8;
	[tilespmem:$0x16D20] =	vst v63  }
.Ltmp4:
0xa0: {  	_ = 	snop;
	(pc) =	sbr.rel .LBB2_3-.Ltmp4, $4  }
0xa1: {  	_ =	swait.ge [sflag:s15], $0x1000  }
0xa2: {  	[sflag:s15] =	ssyncset.done $0x0  }
0xa3: {  	s7 =	sadd.s32 $0x1000, s7;
	s14 =	sadd.s32 $0x780, s14;
	[sflag:s15] =	ssyncadd.s32 $0xFFFFF000  }
0xa4: {  	[tilespmem:s0], [sflag:$0x8] =	stream.indirect.gather [hbm4b:s5+s17], $0x20, s14, s17, $0xb8;
	[tilespmem:$0x16D20] =	vst v63  }
.LBB2_5:
0xa5: {  	[tilespmem:s18], [sflag:$0x1] =	stream.indirect.gather [spmem:s3], $0x20, s7, s17, $0xb8;
	[tilespmem:$0x16D20] =	vst v63  }
0xa6: {  	_ = 	snop  }
0xa7: {  	[tilespmem:s19], [sflag:$0x2] =	stream.indirect.gather [spmem:s3], $0x20, s17, s17, $0xb8;
	[tilespmem:$0x16D20] =	vst v63  }
0xa8: {  	s13 =	simm.s32 $0x100  }
0xa9: {  	[tilespmem:s21], [sflag:$0x3] =	stream.indirect.gather [spmem:s3], $0x20, s13, s17, $0xb8;
	[tilespmem:$0x16D20] =	vst v63  }
0xaa: {  	s14 =	simm.s32 $0x180  }
0xab: {  	[tilespmem:s23], [sflag:$0x4] =	stream.indirect.gather [spmem:s3], $0x20, s14, s17, $0xb8;
	[tilespmem:$0x16D20] =	vst v63  }
0xac: {  	s14 =	simm.s32 $0x200  }
0xad: {  	[tilespmem:s25], [sflag:$0x5] =	stream.indirect.gather [spmem:s3], $0x20, s14, s17, $0xb8;
	[tilespmem:$0x16D20] =	vst v63  }
0xae: {  	s14 =	simm.s32 $0x280  }
0xaf: {  	[tilespmem:s28], [sflag:$0x6] =	stream.indirect.gather [spmem:s3], $0x20, s14, s17, $0xb8;
	[tilespmem:$0x16D20] =	vst v63  }
0xb0: {  	s14 =	simm.s32 $0x300  }
0xb1: {  	[tilespmem:s30], [sflag:$0x7] =	stream.indirect.gather [spmem:s3], $0x20, s14, s17, $0xb8;
	[tilespmem:$0x16D20] =	vst v63  }
0xb2: {  	s14 =	simm.s32 $0x380  }
0xb3: {  	[tilespmem:s0], [sflag:$0x8] =	stream.indirect.gather [spmem:s3], $0x20, s14, s17, $0xb8;
	[tilespmem:$0x16D20] =	vst v63  }
.LBB2_6:
0xb4: {  	_ =	swait.ge [sflag:s1], $0x1000  }
0xb5: {  	s14 =	sshra.s32 s7, $0x2;
	[sflag:s1] =	ssyncset.done $0x0  }
0xb6: {  	s13 =	sadd.s32 $0x2800, s14;
	[sflag:s1] =	ssyncadd.s32 $0xFFFFF000  }
0xb7: {  	[spmem:s2] =	stream.indirect.scatter.add.f32 [tilespmem:s18], [sflag:$0x9], $0x20, s13, s17, $0xb8;
	[tilespmem:$0x16D20] =	vst v63  }
0xb8: {  	_ =	swait.ge [sflag:s16], $0x1000  }
0xb9: {  	[sflag:s16] =	ssyncset.done $0x0  }
0xba: {  	s13 =	sadd.s32 $0x2880, s14;
	[sflag:s16] =	ssyncadd.s32 $0xFFFFF000  }
0xbb: {  	[spmem:s2] =	stream.indirect.scatter.add.f32 [tilespmem:s19], [sflag:$0xA], $0x20, s13, s17, $0xb8;
	[tilespmem:$0x16D20] =	vst v63  }
0xbc: {  	_ =	swait.ge [sflag:s20], $0x1000  }
0xbd: {  	[sflag:s20] =	ssyncset.done $0x0  }
0xbe: {  	s13 =	sadd.s32 $0x2900, s14;
	[sflag:s20] =	ssyncadd.s32 $0xFFFFF000  }
0xbf: {  	[spmem:s2] =	stream.indirect.scatter.add.f32 [tilespmem:s21], [sflag:$0xB], $0x20, s13, s17, $0xb8;
	[tilespmem:$0x16D20] =	vst v63  }
0xc0: {  	_ =	swait.ge [sflag:s22], $0x1000  }
0xc1: {  	[sflag:s22] =	ssyncset.done $0x0  }
0xc2: {  	s13 =	sadd.s32 $0x2980, s14;
	[sflag:s22] =	ssyncadd.s32 $0xFFFFF000  }
0xc3: {  	[spmem:s2] =	stream.indirect.scatter.add.f32 [tilespmem:s23], [sflag:$0xC], $0x20, s13, s17, $0xb8;
	[tilespmem:$0x16D20] =	vst v63  }
0xc4: {  	_ =	swait.ge [sflag:s24], $0x1000  }
0xc5: {  	[sflag:s24] =	ssyncset.done $0x0  }
0xc6: {  	s13 =	sadd.s32 $0x2A00, s14;
	[sflag:s24] =	ssyncadd.s32 $0xFFFFF000  }
0xc7: {  	[spmem:s2] =	stream.indirect.scatter.add.f32 [tilespmem:s25], [sflag:$0xD], $0x20, s13, s17, $0xb8;
	[tilespmem:$0x16D20] =	vst v63  }
0xc8: {  	_ =	swait.ge [sflag:s26], $0x1000  }
0xc9: {  	[sflag:s26] =	ssyncset.done $0x0  }
0xca: {  	s13 =	sadd.s32 $0x2A80, s14;
	[sflag:s26] =	ssyncadd.s32 $0xFFFFF000  }
0xcb: {  	[spmem:s2] =	stream.indirect.scatter.add.f32 [tilespmem:s28], [sflag:$0xE], $0x20, s13, s17, $0xb8;
	[tilespmem:$0x16D20] =	vst v63  }
0xcc: {  	_ =	swait.ge [sflag:s29], $0x1000  }
0xcd: {  	[sflag:s29] =	ssyncset.done $0x0  }
0xce: {  	s13 =	sadd.s32 $0x2B00, s14;
	[sflag:s29] =	ssyncadd.s32 $0xFFFFF000  }
0xcf: {  	[spmem:s2] =	stream.indirect.scatter.add.f32 [tilespmem:s30], [sflag:$0xF], $0x20, s13, s17, $0xb8;
	[tilespmem:$0x16D20] =	vst v63  }
0xd0: {  	_ =	swait.ge [sflag:s31], $0x1000  }
0xd1: {  	p1 =	seq.s32 s7, $0x9000;
	[sflag:s31] =	ssyncset.done $0x0  }
.Ltmp5:
0xd2: {  	s13 =	sadd.s32 $0x2B80, s14;
	[sflag:s31] =	ssyncadd.s32 $0xFFFFF000;
	(pc) =	sbr.rel @p1 .LBB2_8-.Ltmp5, $4  }
0xd3: {  	[spmem:s2] =	stream.indirect.scatter.add.f32 [tilespmem:s0], [sflag:$0x10], $0x20, s13, s17, $0xb8;
	[tilespmem:$0x16D20] =	vst v63  }
0xd4: {  	_ =	swait.ge [sflag:s4], $0x1000  }
0xd5: {  	[sflag:s4] =	ssyncset.done $0x0  }
0xd6: {  	[sflag:s4] =	ssyncadd.s32 $0xFFFFF000  }
0xd7: {  	s13 =	sadd.s32 $0x400, s14  }
0xd8: {  	[tilespmem:s18], [sflag:$0x1] =	stream.indirect.gather [spmem:s3], $0x20, s13, s17, $0xb8;
	[tilespmem:$0x16D20] =	vst v63  }
0xd9: {  	_ =	swait.ge [sflag:s6], $0x1000  }
0xda: {  	[sflag:s6] =	ssyncset.done $0x0  }
0xdb: {  	s13 =	sadd.s32 $0x480, s14;
	[sflag:s6] =	ssyncadd.s32 $0xFFFFF000  }
0xdc: {  	[tilespmem:s19], [sflag:$0x2] =	stream.indirect.gather [spmem:s3], $0x20, s13, s17, $0xb8;
	[tilespmem:$0x16D20] =	vst v63  }
0xdd: {  	_ =	swait.ge [sflag:s8], $0x1000  }
0xde: {  	[sflag:s8] =	ssyncset.done $0x0  }
0xdf: {  	s13 =	sadd.s32 $0x500, s14;
	[sflag:s8] =	ssyncadd.s32 $0xFFFFF000  }
0xe0: {  	[tilespmem:s21], [sflag:$0x3] =	stream.indirect.gather [spmem:s3], $0x20, s13, s17, $0xb8;
	[tilespmem:$0x16D20] =	vst v63  }
0xe1: {  	_ =	swait.ge [sflag:s9], $0x1000  }
0xe2: {  	[sflag:s9] =	ssyncset.done $0x0  }
0xe3: {  	s13 =	sadd.s32 $0x580, s14;
	[sflag:s9] =	ssyncadd.s32 $0xFFFFF000  }
0xe4: {  	[tilespmem:s23], [sflag:$0x4] =	stream.indirect.gather [spmem:s3], $0x20, s13, s17, $0xb8;
	[tilespmem:$0x16D20] =	vst v63  }
0xe5: {  	_ =	swait.ge [sflag:s10], $0x1000  }
0xe6: {  	[sflag:s10] =	ssyncset.done $0x0  }
0xe7: {  	s13 =	sadd.s32 $0x600, s14;
	[sflag:s10] =	ssyncadd.s32 $0xFFFFF000  }
0xe8: {  	[tilespmem:s25], [sflag:$0x5] =	stream.indirect.gather [spmem:s3], $0x20, s13, s17, $0xb8;
	[tilespmem:$0x16D20] =	vst v63  }
0xe9: {  	_ =	swait.ge [sflag:s11], $0x1000  }
0xea: {  	[sflag:s11] =	ssyncset.done $0x0  }
0xeb: {  	s13 =	sadd.s32 $0x680, s14;
	[sflag:s11] =	ssyncadd.s32 $0xFFFFF000  }
0xec: {  	[tilespmem:s28], [sflag:$0x6] =	stream.indirect.gather [spmem:s3], $0x20, s13, s17, $0xb8;
	[tilespmem:$0x16D20] =	vst v63  }
0xed: {  	_ =	swait.ge [sflag:s12], $0x1000  }
0xee: {  	[sflag:s12] =	ssyncset.done $0x0  }
0xef: {  	s13 =	sadd.s32 $0x700, s14;
	[sflag:s12] =	ssyncadd.s32 $0xFFFFF000  }
0xf0: {  	[tilespmem:s30], [sflag:$0x7] =	stream.indirect.gather [spmem:s3], $0x20, s13, s17, $0xb8;
	[tilespmem:$0x16D20] =	vst v63  }
.Ltmp6:
0xf1: {  	_ = 	snop;
	(pc) =	sbr.rel .LBB2_6-.Ltmp6, $4  }
0xf2: {  	_ =	swait.ge [sflag:s15], $0x1000  }
0xf3: {  	[sflag:s15] =	ssyncset.done $0x0  }
0xf4: {  	s7 =	sadd.s32 $0x1000, s7;
	s14 =	sadd.s32 $0x780, s14;
	[sflag:s15] =	ssyncadd.s32 $0xFFFFF000  }
0xf5: {  	[tilespmem:s0], [sflag:$0x8] =	stream.indirect.gather [spmem:s3], $0x20, s14, s17, $0xb8;
	[tilespmem:$0x16D20] =	vst v63  }
.LBB2_9:
0xf6: {  	_ =	sfence.sel $0x180000  }
0xf7: {  	[bflag:$0x0] =	sbarrier.arrive $0xFFFF  }
0xf8: {  	_ =	strace $0x90000047  }
0xf9: {  	s0 =	stileid.u32;
	[bflag:$0x2] =	sbarrier.arrive $0xFFFF  }
0xfa: {  	p0 =	sne.s32 s0, $0x0;
	s0 =	rddreg [dreg:$0x4]  }
0xfb: {  	s0 =	sadd.s32 @!p0 $0x100000, s0  }
0xfc: {  	[sflag:s0] =	ssyncadd.tile.s32 @!p0 $0x1;
	_ =	shalt  }
.Lfunc_end2:
_tile_overlayer_lowered:
.L_overlay_start_2:
0xfd: {  	(tag) =	ssettag $0x2  }
0xfe: {  	s0 =	rddreg [dreg:$0x0];
	s2 =	stileid.u32  }
0xff: {  	s1 =	rddreg [dreg:$0x1];
	p0 =	sne.s32 s2, $0x0  }
0x100: {  	s3 =	rddreg [dreg:$0x2];
	[bflag:$0x3] =	sbarrier.arrive $0xFFFF;
	s2 =	simm.s32 @!p0 $0x1C11  }
0x101: {  	[timem:s3], [sflag:s2] =	dma.local @!p0 [hbm:s0], s1  }
0x102: {  	s0 =	simm.s32 @!p0 $0x11  }
0x103: {  	_ =	swait.ge @!p0 [sflag:s0], s1  }
0x104: {  	s1 =	ssub.s32 @!p0 $0x0, s1;
	[sflag:s0] =	ssyncset.done @!p0 $0x0  }
0x105: {  	[sflag:s0] =	ssyncadd.s32 @!p0 s1  }
0x106: {  	[bflag:$0x3] =	sbarrier.arrive $0xFFFF  }
0x107: {  	_ =	shalt  }

</sc_bundles>
